<compile_context>
chip_gen: v7x
topology: tpu7x:2x2x1
jax: 0.10.2.dev20260603
libtpu: 0.0.44.dev20260713+nightly
codegen_flags: <defaults>
</compile_context>

<pallas_src>
import functools

import jax
import jax.numpy as jnp
from jax import lax
from jax.experimental import pallas as pl
from jax.experimental.pallas import tpu as pltpu
from jax.experimental.pallas import tpu_sc as plsc

N_NODES = 10000
N_PAD = 10240
N_EDGES = 320000
D = 128

NC = 2
NS = 16
NW = NC * NS
CH = 96
CHUNKS = 105
EPT = CHUNKS * CH
E_PAD = NW * EPT
RPS = N_PAD // NS

_MESH = plsc.VectorSubcoreMesh(
    core_axis_name="c", subcore_axis_name="s", num_cores=NC, num_subcores=NS
)


def _sc_accumulate(x_hbm, src_hbm, dst_hbm, out_hbm,
                   acc, src_v, dst_v, rows_v, sem, sem_s):
    c = lax.axis_index("c")
    s = lax.axis_index("s")
    w = c * NS + s

    pltpu.async_copy(src_hbm.at[pl.ds(w * EPT, EPT)], src_v, sem)
    pltpu.async_copy(dst_hbm.at[w], dst_v, sem_s)

    def _zrow(r, carry):
        for b in range(2):
            for j in range(D // 16):
                rows_v[b, r, pl.ds(j * 16, 16)] = jnp.zeros((16,), jnp.float32)
        return carry
    lax.fori_loop(0, CH, _zrow, 0)
    zoffs = [k * CH for k in range(RPS // CH)] + [RPS - CH]
    for k, off in enumerate(zoffs):
        pltpu.sync_copy(rows_v.at[k % 2], acc.at[pl.ds(s * RPS + off, CH)])
    plsc.subcore_barrier()

    pltpu.make_async_copy(src_hbm.at[pl.ds(w * EPT, EPT)], src_v, sem).wait()
    pltpu.make_async_copy(dst_hbm.at[w], dst_v, sem_s).wait()

    def _gather(i, buf):
        pltpu.async_copy(
            x_hbm.at[src_v.at[pl.ds(i * CH, CH)]], rows_v.at[buf], sem)

    def _gather_wait(i, buf):
        pltpu.make_async_copy(
            x_hbm.at[src_v.at[pl.ds(i * CH, CH)]], rows_v.at[buf], sem).wait()

    def _scatter(i, buf):
        pltpu.async_copy(rows_v.at[buf], acc.at[dst_v.at[i]], sem_s, add=True)

    def _scatter_wait(i, buf):
        pltpu.make_async_copy(
            rows_v.at[buf], acc.at[dst_v.at[i]], sem_s).wait()

    _gather(0, 0)

    def _chunk(i, carry):
        p = i % 2
        @pl.when(i >= 1)
        def _():
            _scatter_wait(i - 1, 1 - p)
        @pl.when(i + 1 < CHUNKS)
        def _():
            _gather(i + 1, 1 - p)
        _gather_wait(i, p)
        _scatter(i, p)
        return carry
    lax.fori_loop(0, CHUNKS, _chunk, 0)
    _scatter_wait(CHUNKS - 1, (CHUNKS - 1) % 2)

    plsc.subcore_barrier()
    pltpu.sync_copy(acc.at[pl.ds(s * RPS, RPS)],
                    out_hbm.at[c, pl.ds(s * RPS, RPS)])


_sc_kernel = functools.partial(
    pl.kernel,
    out_type=jax.ShapeDtypeStruct((NC, N_PAD, D), jnp.float32),
    mesh=_MESH,
    scratch_types=[
        pltpu.VMEM_SHARED((N_PAD, D), jnp.float32),
        pltpu.VMEM((EPT,), jnp.int32),
        pltpu.VMEM((CHUNKS, CH), jnp.int32),
        pltpu.VMEM((2, CH, D), jnp.float32),
        pltpu.SemaphoreType.DMA,
        pltpu.SemaphoreType.DMA,
    ],
)(_sc_accumulate)


def _tc_finalize(p_ref, k_ref, b_ref, o_ref):
    a = p_ref[0] + p_ref[1]
    y = jnp.dot(a, k_ref[...], preferred_element_type=jnp.float32)
    o_ref[...] = jnp.maximum(y + b_ref[...], 0.0)


def kernel(x, edge_index, kernel, bias):
    npad = E_PAD - N_EDGES
    src = jnp.concatenate([edge_index[0], jnp.zeros((npad,), jnp.int32)])
    pad_dst = N_NODES + jnp.arange(npad, dtype=jnp.int32) % (N_PAD - N_NODES)
    dst = jnp.concatenate(
        [edge_index[1], pad_dst]).reshape(NW, CHUNKS, CH)
    partials = _sc_kernel(x, src, dst)

    rows_blk = 2000
    grid = (N_NODES // rows_blk,)
    out = pl.pallas_call(
        _tc_finalize,
        grid=grid,
        in_specs=[
            pl.BlockSpec((NC, rows_blk, D), lambda i: (0, i, 0)),
            pl.BlockSpec((D, D), lambda i: (0, 0)),
            pl.BlockSpec((1, D), lambda i: (0, 0)),
        ],
        out_specs=pl.BlockSpec((rows_blk, D), lambda i: (i, 0)),
        out_shape=jax.ShapeDtypeStruct((N_NODES, D), jnp.float32),
    )(partials, kernel, bias.reshape(1, D))
    return out

# --- scband reference (transcript-rebuilt; emitter-appended) ---
"""Pipeline reference for scband-graph-conv-12386685681875 (READ-ONLY COPY).

The authoritative reference and input builder live on the scoring server;
editing this copy changes nothing except your own understanding.
"""

import jax, jax.numpy as jnp
import numpy as np

N_NODES = 10000
N_EDGES = 320000
D_FEAT = 128
UNITS = 128


def setup_inputs(seed: int = 0) -> dict:
    key = jax.random.key(seed)
    k1, k2, k3 = jax.random.split(key, 3)
    x = jax.random.normal(k1, (N_NODES, D_FEAT), dtype=jnp.float32)
    edge_index = jax.random.randint(k2, (2, N_EDGES), 0, N_NODES, dtype=jnp.int32)
    # glorot_uniform kernel per keras default, zeros bias
    limit = np.sqrt(6.0 / (D_FEAT + UNITS)).astype(np.float32)
    kernel = jax.random.uniform(k3, (D_FEAT, UNITS), minval=-limit, maxval=limit, dtype=jnp.float32)
    bias = jnp.zeros((UNITS,), dtype=jnp.float32)
    return {"x": x, "edge_index": edge_index, "kernel": kernel, "bias": bias}


def reference(x, edge_index, kernel, bias):
    # GraphConv message passing: project source node features, gather along edges,
    # scatter-add (segment_sum) into destination nodes, add bias, apply relu update.
    src = edge_index[0]
    dst = edge_index[1]
    # message: gather source node states and transform (dense kernel)
    messages = jnp.take(x, src, axis=0) @ kernel  # [E, UNITS]
    # aggregate: sum messages into destination nodes
    aggregated = jax.ops.segment_sum(messages, dst, num_segments=x.shape[0])  # [N, UNITS]
    # update: bias + nonlinearity
    out = jax.nn.relu(aggregated + bias)
    return out

if __name__ == "__main__":
    import jax
    _d = setup_inputs()
    print(jax.jit(kernel)(*tuple(_d.values())))

</pallas_src>

<mosaic_0001>
#map = affine_map<(d0, d1) -> (0, 0)>
#map1 = affine_map<(d0, d1) -> (0)>
#map2 = affine_map<(d0, d1) -> (0, 0, 0)>
module attributes {stable_mosaic.version = 14 : i64} {
  func.func @_sc_accumulate(%arg0: i32, %arg1: i32, %arg2: memref<10000x128xf32, #tpu.memory_space<hbm>>, %arg3: memref<322560xi32, #tpu.memory_space<hbm>>, %arg4: memref<32x105x96xi32, #tpu.memory_space<hbm>>, %arg5: memref<2x10240x128xf32, #tpu.memory_space<hbm>>, %arg6: memref<10240x128xf32, #tpu.memory_space<vmem_shared>>, %arg7: memref<10080xi32, #tpu.memory_space<vmem>>, %arg8: memref<105x96xi32, #tpu.memory_space<vmem>>, %arg9: memref<2x96x128xf32, #tpu.memory_space<vmem>>, %arg10: memref<!tpu.dma_semaphore, #tpu.memory_space<semaphore_mem>>, %arg11: memref<!tpu.dma_semaphore, #tpu.memory_space<semaphore_mem>>) attributes {dimension_semantics = [#tpu.dimension_semantics<core_parallel>, #tpu.dimension_semantics<subcore_parallel>], iteration_bounds = array<i64: 2, 16>, scalar_prefetch = 0 : i64, scratch_operands = 6 : i64, tpu.core_type = #tpu.core_type<sc_vector_subcore>, window_params = [{transform_indices = #map}, {transform_indices = #map1}, {transform_indices = #map2}, {transform_indices = #map2}]} {
    %mul3A = arith.constant 16 : i32
    %mul3A_0 = arith.muli %arg0, %mul3A : i32
    %add3A = arith.addi %mul3A_0, %arg1 : i32
    %mul3A_1 = arith.constant 10080 : i32
    %mul3A_2 = arith.muli %add3A, %mul3A_1 : i32
    %dma_start3A = tpu.memref_slice %arg3[%mul3A_2] : memref<322560xi32, #tpu.memory_space<hbm>> -> memref<10080xi32, #tpu.memory_space<hbm>>
    %dma_start3A_3 = tpu.memref_slice %arg3[%mul3A_2] : memref<322560xi32, #tpu.memory_space<hbm>> -> memref<10080xi32, #tpu.memory_space<hbm>>
    tpu.enqueue_dma source(%dma_start3A_3 : memref<10080xi32, #tpu.memory_space<hbm>>) target(%arg7 : memref<10080xi32, #tpu.memory_space<vmem>>) target_semaphore(%arg10 : memref<!tpu.dma_semaphore, #tpu.memory_space<semaphore_mem>>)
    %dma_start3A_4 = arith.constant 0 : i32
    %dma_start3A_5 = arith.constant 0 : i32
    %dma_start3A_6 = tpu.memref_slice %arg4[%add3A, %dma_start3A_4, %dma_start3A_5] : memref<32x105x96xi32, #tpu.memory_space<hbm>> -> memref<1x105x96xi32, #tpu.memory_space<hbm>>
    %dma_start3A_7 = tpu.memref_squeeze %dma_start3A_6 : memref<1x105x96xi32, #tpu.memory_space<hbm>> -> memref<105x96xi32, #tpu.memory_space<hbm>>
    %dma_start3A_8 = arith.constant 0 : i32
    %dma_start3A_9 = arith.constant 0 : i32
    %dma_start3A_10 = tpu.memref_slice %arg4[%add3A, %dma_start3A_8, %dma_start3A_9] : memref<32x105x96xi32, #tpu.memory_space<hbm>> -> memref<1x105x96xi32, #tpu.memory_space<hbm>>
    %dma_start3A_11 = tpu.memref_squeeze %dma_start3A_10 : memref<1x105x96xi32, #tpu.memory_space<hbm>> -> memref<105x96xi32, #tpu.memory_space<hbm>>
    tpu.enqueue_dma source(%dma_start3A_11 : memref<105x96xi32, #tpu.memory_space<hbm>>) target(%arg8 : memref<105x96xi32, #tpu.memory_space<vmem>>) target_semaphore(%arg11 : memref<!tpu.dma_semaphore, #tpu.memory_space<semaphore_mem>>)
    %scan3A = arith.constant 0 : i32
    %scan3A_12 = arith.constant 0 : i32
    %scan3A_13 = arith.constant 96 : i32
    %scan3A_14 = arith.addi %scan3A_12, %scan3A_13 : i32
    %scan3A_15 = arith.constant 1 : i32
    scf.for %scan3A_95 = %scan3A_12 to %scan3A_14 step %scan3A_15  : i32 {
      %broadcast_in_dim3A = arith.constant 0.000000e+00 : f32
      %broadcast_in_dim3A_96 = vector.broadcast %broadcast_in_dim3A : f32 to vector<16xf32>
      %swap3A = arith.constant 0 : i32
      %swap3A_97 = arith.index_cast %swap3A : i32 to index
      %swap3A_98 = arith.index_cast %scan3A_95 : i32 to index
      %swap3A_99 = arith.constant 0 : index
      %swap3A_100 = tpu.vector_load %arg9[%swap3A_97, %swap3A_98, %swap3A_99] {strides = array<i32>} : memref<2x96x128xf32, #tpu.memory_space<vmem>>, vector<1x1x16xf32>,
      %swap3A_101 = vector.shape_cast %swap3A_100 : vector<1x1x16xf32> to vector<16xf32>
      %swap3A_102 = vector.shape_cast %broadcast_in_dim3A_96 : vector<16xf32> to vector<1x1x16xf32>
      tpu.vector_store %arg9[%swap3A_97, %swap3A_98, %swap3A_99], %swap3A_102 {strides = array<i32>} : memref<2x96x128xf32, #tpu.memory_space<vmem>>, vector<1x1x16xf32>,
      %broadcast_in_dim3A_103 = arith.constant 0.000000e+00 : f32
      %broadcast_in_dim3A_104 = vector.broadcast %broadcast_in_dim3A_103 : f32 to vector<16xf32>
      %swap3A_105 = arith.constant 0 : i32
      %swap3A_106 = arith.index_cast %swap3A_105 : i32 to index
      %swap3A_107 = arith.index_cast %scan3A_95 : i32 to index
      %swap3A_108 = arith.constant 16 : index
      %swap3A_109 = tpu.vector_load %arg9[%swap3A_106, %swap3A_107, %swap3A_108] {strides = array<i32>} : memref<2x96x128xf32, #tpu.memory_space<vmem>>, vector<1x1x16xf32>,
      %swap3A_110 = vector.shape_cast %swap3A_109 : vector<1x1x16xf32> to vector<16xf32>
      %swap3A_111 = vector.shape_cast %broadcast_in_dim3A_104 : vector<16xf32> to vector<1x1x16xf32>
      tpu.vector_store %arg9[%swap3A_106, %swap3A_107, %swap3A_108], %swap3A_111 {strides = array<i32>} : memref<2x96x128xf32, #tpu.memory_space<vmem>>, vector<1x1x16xf32>,
      %broadcast_in_dim3A_112 = arith.constant 0.000000e+00 : f32
      %broadcast_in_dim3A_113 = vector.broadcast %broadcast_in_dim3A_112 : f32 to vector<16xf32>
      %swap3A_114 = arith.constant 0 : i32
      %swap3A_115 = arith.index_cast %swap3A_114 : i32 to index
      %swap3A_116 = arith.index_cast %scan3A_95 : i32 to index
      %swap3A_117 = arith.constant 32 : index
      %swap3A_118 = tpu.vector_load %arg9[%swap3A_115, %swap3A_116, %swap3A_117] {strides = array<i32>} : memref<2x96x128xf32, #tpu.memory_space<vmem>>, vector<1x1x16xf32>,
      %swap3A_119 = vector.shape_cast %swap3A_118 : vector<1x1x16xf32> to vector<16xf32>
      %swap3A_120 = vector.shape_cast %broadcast_in_dim3A_113 : vector<16xf32> to vector<1x1x16xf32>
      tpu.vector_store %arg9[%swap3A_115, %swap3A_116, %swap3A_117], %swap3A_120 {strides = array<i32>} : memref<2x96x128xf32, #tpu.memory_space<vmem>>, vector<1x1x16xf32>,
      %broadcast_in_dim3A_121 = arith.constant 0.000000e+00 : f32
      %broadcast_in_dim3A_122 = vector.broadcast %broadcast_in_dim3A_121 : f32 to vector<16xf32>
      %swap3A_123 = arith.constant 0 : i32
      %swap3A_124 = arith.index_cast %swap3A_123 : i32 to index
      %swap3A_125 = arith.index_cast %scan3A_95 : i32 to index
      %swap3A_126 = arith.constant 48 : index
      %swap3A_127 = tpu.vector_load %arg9[%swap3A_124, %swap3A_125, %swap3A_126] {strides = array<i32>} : memref<2x96x128xf32, #tpu.memory_space<vmem>>, vector<1x1x16xf32>,
      %swap3A_128 = vector.shape_cast %swap3A_127 : vector<1x1x16xf32> to vector<16xf32>
      %swap3A_129 = vector.shape_cast %broadcast_in_dim3A_122 : vector<16xf32> to vector<1x1x16xf32>
      tpu.vector_store %arg9[%swap3A_124, %swap3A_125, %swap3A_126], %swap3A_129 {strides = array<i32>} : memref<2x96x128xf32, #tpu.memory_space<vmem>>, vector<1x1x16xf32>,
      %broadcast_in_dim3A_130 = arith.constant 0.000000e+00 : f32
      %broadcast_in_dim3A_131 = vector.broadcast %broadcast_in_dim3A_130 : f32 to vector<16xf32>
      %swap3A_132 = arith.constant 0 : i32
      %swap3A_133 = arith.index_cast %swap3A_132 : i32 to index
      %swap3A_134 = arith.index_cast %scan3A_95 : i32 to index
      %swap3A_135 = arith.constant 64 : index
      %swap3A_136 = tpu.vector_load %arg9[%swap3A_133, %swap3A_134, %swap3A_135] {strides = array<i32>} : memref<2x96x128xf32, #tpu.memory_space<vmem>>, vector<1x1x16xf32>,
      %swap3A_137 = vector.shape_cast %swap3A_136 : vector<1x1x16xf32> to vector<16xf32>
      %swap3A_138 = vector.shape_cast %broadcast_in_dim3A_131 : vector<16xf32> to vector<1x1x16xf32>
      tpu.vector_store %arg9[%swap3A_133, %swap3A_134, %swap3A_135], %swap3A_138 {strides = array<i32>} : memref<2x96x128xf32, #tpu.memory_space<vmem>>, vector<1x1x16xf32>,
      %broadcast_in_dim3A_139 = arith.constant 0.000000e+00 : f32
      %broadcast_in_dim3A_140 = vector.broadcast %broadcast_in_dim3A_139 : f32 to vector<16xf32>
      %swap3A_141 = arith.constant 0 : i32
      %swap3A_142 = arith.index_cast %swap3A_141 : i32 to index
      %swap3A_143 = arith.index_cast %scan3A_95 : i32 to index
      %swap3A_144 = arith.constant 80 : index
      %swap3A_145 = tpu.vector_load %arg9[%swap3A_142, %swap3A_143, %swap3A_144] {strides = array<i32>} : memref<2x96x128xf32, #tpu.memory_space<vmem>>, vector<1x1x16xf32>,
      %swap3A_146 = vector.shape_cast %swap3A_145 : vector<1x1x16xf32> to vector<16xf32>
      %swap3A_147 = vector.shape_cast %broadcast_in_dim3A_140 : vector<16xf32> to vector<1x1x16xf32>
      tpu.vector_store %arg9[%swap3A_142, %swap3A_143, %swap3A_144], %swap3A_147 {strides = array<i32>} : memref<2x96x128xf32, #tpu.memory_space<vmem>>, vector<1x1x16xf32>,
      %broadcast_in_dim3A_148 = arith.constant 0.000000e+00 : f32
      %broadcast_in_dim3A_149 = vector.broadcast %broadcast_in_dim3A_148 : f32 to vector<16xf32>
      %swap3A_150 = arith.constant 0 : i32
      %swap3A_151 = arith.index_cast %swap3A_150 : i32 to index
      %swap3A_152 = arith.index_cast %scan3A_95 : i32 to index
      %swap3A_153 = arith.constant 96 : index
      %swap3A_154 = tpu.vector_load %arg9[%swap3A_151, %swap3A_152, %swap3A_153] {strides = array<i32>} : memref<2x96x128xf32, #tpu.memory_space<vmem>>, vector<1x1x16xf32>,
      %swap3A_155 = vector.shape_cast %swap3A_154 : vector<1x1x16xf32> to vector<16xf32>
      %swap3A_156 = vector.shape_cast %broadcast_in_dim3A_149 : vector<16xf32> to vector<1x1x16xf32>
      tpu.vector_store %arg9[%swap3A_151, %swap3A_152, %swap3A_153], %swap3A_156 {strides = array<i32>} : memref<2x96x128xf32, #tpu.memory_space<vmem>>, vector<1x1x16xf32>,
      %broadcast_in_dim3A_157 = arith.constant 0.000000e+00 : f32
      %broadcast_in_dim3A_158 = vector.broadcast %broadcast_in_dim3A_157 : f32 to vector<16xf32>
      %swap3A_159 = arith.constant 0 : i32
      %swap3A_160 = arith.index_cast %swap3A_159 : i32 to index
      %swap3A_161 = arith.index_cast %scan3A_95 : i32 to index
      %swap3A_162 = arith.constant 112 : index
      %swap3A_163 = tpu.vector_load %arg9[%swap3A_160, %swap3A_161, %swap3A_162] {strides = array<i32>} : memref<2x96x128xf32, #tpu.memory_space<vmem>>, vector<1x1x16xf32>,
      %swap3A_164 = vector.shape_cast %swap3A_163 : vector<1x1x16xf32> to vector<16xf32>
      %swap3A_165 = vector.shape_cast %broadcast_in_dim3A_158 : vector<16xf32> to vector<1x1x16xf32>
      tpu.vector_store %arg9[%swap3A_160, %swap3A_161, %swap3A_162], %swap3A_165 {strides = array<i32>} : memref<2x96x128xf32, #tpu.memory_space<vmem>>, vector<1x1x16xf32>,
      %broadcast_in_dim3A_166 = arith.constant 0.000000e+00 : f32
      %broadcast_in_dim3A_167 = vector.broadcast %broadcast_in_dim3A_166 : f32 to vector<16xf32>
      %swap3A_168 = arith.constant 1 : i32
      %swap3A_169 = arith.index_cast %swap3A_168 : i32 to index
      %swap3A_170 = arith.index_cast %scan3A_95 : i32 to index
      %swap3A_171 = arith.constant 0 : index
      %swap3A_172 = tpu.vector_load %arg9[%swap3A_169, %swap3A_170, %swap3A_171] {strides = array<i32>} : memref<2x96x128xf32, #tpu.memory_space<vmem>>, vector<1x1x16xf32>,
      %swap3A_173 = vector.shape_cast %swap3A_172 : vector<1x1x16xf32> to vector<16xf32>
      %swap3A_174 = vector.shape_cast %broadcast_in_dim3A_167 : vector<16xf32> to vector<1x1x16xf32>
      tpu.vector_store %arg9[%swap3A_169, %swap3A_170, %swap3A_171], %swap3A_174 {strides = array<i32>} : memref<2x96x128xf32, #tpu.memory_space<vmem>>, vector<1x1x16xf32>,
      %broadcast_in_dim3A_175 = arith.constant 0.000000e+00 : f32
      %broadcast_in_dim3A_176 = vector.broadcast %broadcast_in_dim3A_175 : f32 to vector<16xf32>
      %swap3A_177 = arith.constant 1 : i32
      %swap3A_178 = arith.index_cast %swap3A_177 : i32 to index
      %swap3A_179 = arith.index_cast %scan3A_95 : i32 to index
      %swap3A_180 = arith.constant 16 : index
      %swap3A_181 = tpu.vector_load %arg9[%swap3A_178, %swap3A_179, %swap3A_180] {strides = array<i32>} : memref<2x96x128xf32, #tpu.memory_space<vmem>>, vector<1x1x16xf32>,
      %swap3A_182 = vector.shape_cast %swap3A_181 : vector<1x1x16xf32> to vector<16xf32>
      %swap3A_183 = vector.shape_cast %broadcast_in_dim3A_176 : vector<16xf32> to vector<1x1x16xf32>
      tpu.vector_store %arg9[%swap3A_178, %swap3A_179, %swap3A_180], %swap3A_183 {strides = array<i32>} : memref<2x96x128xf32, #tpu.memory_space<vmem>>, vector<1x1x16xf32>,
      %broadcast_in_dim3A_184 = arith.constant 0.000000e+00 : f32
      %broadcast_in_dim3A_185 = vector.broadcast %broadcast_in_dim3A_184 : f32 to vector<16xf32>
      %swap3A_186 = arith.constant 1 : i32
      %swap3A_187 = arith.index_cast %swap3A_186 : i32 to index
      %swap3A_188 = arith.index_cast %scan3A_95 : i32 to index
      %swap3A_189 = arith.constant 32 : index
      %swap3A_190 = tpu.vector_load %arg9[%swap3A_187, %swap3A_188, %swap3A_189] {strides = array<i32>} : memref<2x96x128xf32, #tpu.memory_space<vmem>>, vector<1x1x16xf32>,
      %swap3A_191 = vector.shape_cast %swap3A_190 : vector<1x1x16xf32> to vector<16xf32>
      %swap3A_192 = vector.shape_cast %broadcast_in_dim3A_185 : vector<16xf32> to vector<1x1x16xf32>
      tpu.vector_store %arg9[%swap3A_187, %swap3A_188, %swap3A_189], %swap3A_192 {strides = array<i32>} : memref<2x96x128xf32, #tpu.memory_space<vmem>>, vector<1x1x16xf32>,
      %broadcast_in_dim3A_193 = arith.constant 0.000000e+00 : f32
      %broadcast_in_dim3A_194 = vector.broadcast %broadcast_in_dim3A_193 : f32 to vector<16xf32>
      %swap3A_195 = arith.constant 1 : i32
      %swap3A_196 = arith.index_cast %swap3A_195 : i32 to index
      %swap3A_197 = arith.index_cast %scan3A_95 : i32 to index
      %swap3A_198 = arith.constant 48 : index
      %swap3A_199 = tpu.vector_load %arg9[%swap3A_196, %swap3A_197, %swap3A_198] {strides = array<i32>} : memref<2x96x128xf32, #tpu.memory_space<vmem>>, vector<1x1x16xf32>,
      %swap3A_200 = vector.shape_cast %swap3A_199 : vector<1x1x16xf32> to vector<16xf32>
      %swap3A_201 = vector.shape_cast %broadcast_in_dim3A_194 : vector<16xf32> to vector<1x1x16xf32>
      tpu.vector_store %arg9[%swap3A_196, %swap3A_197, %swap3A_198], %swap3A_201 {strides = array<i32>} : memref<2x96x128xf32, #tpu.memory_space<vmem>>, vector<1x1x16xf32>,
      %broadcast_in_dim3A_202 = arith.constant 0.000000e+00 : f32
      %broadcast_in_dim3A_203 = vector.broadcast %broadcast_in_dim3A_202 : f32 to vector<16xf32>
      %swap3A_204 = arith.constant 1 : i32
      %swap3A_205 = arith.index_cast %swap3A_204 : i32 to index
      %swap3A_206 = arith.index_cast %scan3A_95 : i32 to index
      %swap3A_207 = arith.constant 64 : index
      %swap3A_208 = tpu.vector_load %arg9[%swap3A_205, %swap3A_206, %swap3A_207] {strides = array<i32>} : memref<2x96x128xf32, #tpu.memory_space<vmem>>, vector<1x1x16xf32>,
      %swap3A_209 = vector.shape_cast %swap3A_208 : vector<1x1x16xf32> to vector<16xf32>
      %swap3A_210 = vector.shape_cast %broadcast_in_dim3A_203 : vector<16xf32> to vector<1x1x16xf32>
      tpu.vector_store %arg9[%swap3A_205, %swap3A_206, %swap3A_207], %swap3A_210 {strides = array<i32>} : memref<2x96x128xf32, #tpu.memory_space<vmem>>, vector<1x1x16xf32>,
      %broadcast_in_dim3A_211 = arith.constant 0.000000e+00 : f32
      %broadcast_in_dim3A_212 = vector.broadcast %broadcast_in_dim3A_211 : f32 to vector<16xf32>
      %swap3A_213 = arith.constant 1 : i32
      %swap3A_214 = arith.index_cast %swap3A_213 : i32 to index
      %swap3A_215 = arith.index_cast %scan3A_95 : i32 to index
      %swap3A_216 = arith.constant 80 : index
      %swap3A_217 = tpu.vector_load %arg9[%swap3A_214, %swap3A_215, %swap3A_216] {strides = array<i32>} : memref<2x96x128xf32, #tpu.memory_space<vmem>>, vector<1x1x16xf32>,
      %swap3A_218 = vector.shape_cast %swap3A_217 : vector<1x1x16xf32> to vector<16xf32>
      %swap3A_219 = vector.shape_cast %broadcast_in_dim3A_212 : vector<16xf32> to vector<1x1x16xf32>
      tpu.vector_store %arg9[%swap3A_214, %swap3A_215, %swap3A_216], %swap3A_219 {strides = array<i32>} : memref<2x96x128xf32, #tpu.memory_space<vmem>>, vector<1x1x16xf32>,
      %broadcast_in_dim3A_220 = arith.constant 0.000000e+00 : f32
      %broadcast_in_dim3A_221 = vector.broadcast %broadcast_in_dim3A_220 : f32 to vector<16xf32>
      %swap3A_222 = arith.constant 1 : i32
      %swap3A_223 = arith.index_cast %swap3A_222 : i32 to index
      %swap3A_224 = arith.index_cast %scan3A_95 : i32 to index
      %swap3A_225 = arith.constant 96 : index
      %swap3A_226 = tpu.vector_load %arg9[%swap3A_223, %swap3A_224, %swap3A_225] {strides = array<i32>} : memref<2x96x128xf32, #tpu.memory_space<vmem>>, vector<1x1x16xf32>,
      %swap3A_227 = vector.shape_cast %swap3A_226 : vector<1x1x16xf32> to vector<16xf32>
      %swap3A_228 = vector.shape_cast %broadcast_in_dim3A_221 : vector<16xf32> to vector<1x1x16xf32>
      tpu.vector_store %arg9[%swap3A_223, %swap3A_224, %swap3A_225], %swap3A_228 {strides = array<i32>} : memref<2x96x128xf32, #tpu.memory_space<vmem>>, vector<1x1x16xf32>,
      %broadcast_in_dim3A_229 = arith.constant 0.000000e+00 : f32
      %broadcast_in_dim3A_230 = vector.broadcast %broadcast_in_dim3A_229 : f32 to vector<16xf32>
      %swap3A_231 = arith.constant 1 : i32
      %swap3A_232 = arith.index_cast %swap3A_231 : i32 to index
      %swap3A_233 = arith.index_cast %scan3A_95 : i32 to index
      %swap3A_234 = arith.constant 112 : index
      %swap3A_235 = tpu.vector_load %arg9[%swap3A_232, %swap3A_233, %swap3A_234] {strides = array<i32>} : memref<2x96x128xf32, #tpu.memory_space<vmem>>, vector<1x1x16xf32>,
      %swap3A_236 = vector.shape_cast %swap3A_235 : vector<1x1x16xf32> to vector<16xf32>
      %swap3A_237 = vector.shape_cast %broadcast_in_dim3A_230 : vector<16xf32> to vector<1x1x16xf32>
      tpu.vector_store %arg9[%swap3A_232, %swap3A_233, %swap3A_234], %swap3A_237 {strides = array<i32>} : memref<2x96x128xf32, #tpu.memory_space<vmem>>, vector<1x1x16xf32>,
    }
    %scan3A_16 = arith.constant 96 : i32
    %mul3A_17 = arith.constant 640 : i32
    %mul3A_18 = arith.muli %arg1, %mul3A_17 : i32
    %add3A_19 = arith.constant 0 : i32
    %add3A_20 = arith.addi %mul3A_18, %add3A_19 : i32
    %run_scoped3A = arith.constant 0 : i32
    "tpu.region"() ({
      %run_scoped3A_95 = tpu.sem_alloc : memref<!tpu.dma_semaphore, #tpu.memory_space<semaphore_mem>>
      %dma_start3A_96 = arith.constant 0 : i32
      %dma_start3A_97 = arith.constant 0 : i32
      %dma_start3A_98 = tpu.memref_slice %arg9[%run_scoped3A, %dma_start3A_96, %dma_start3A_97] : memref<2x96x128xf32, #tpu.memory_space<vmem>> -> memref<1x96x128xf32, #tpu.memory_space<vmem>>
      %dma_start3A_99 = tpu.memref_squeeze %dma_start3A_98 : memref<1x96x128xf32, #tpu.memory_space<vmem>> -> memref<96x128xf32, #tpu.memory_space<vmem>>
      %dma_start3A_100 = arith.constant 0 : i32
      %dma_start3A_101 = tpu.memref_slice %arg6[%add3A_20, %dma_start3A_100] : memref<10240x128xf32, #tpu.memory_space<vmem_shared>> -> memref<96x128xf32, #tpu.memory_space<vmem_shared>>
      %dma_start3A_102 = arith.constant 0 : i32
      %dma_start3A_103 = tpu.memref_slice %arg6[%add3A_20, %dma_start3A_102] : memref<10240x128xf32, #tpu.memory_space<vmem_shared>> -> memref<96x128xf32, #tpu.memory_space<vmem_shared>>
      %dma_start3A_104 = arith.constant 0 : i32
      %dma_start3A_105 = arith.constant 0 : i32
      %dma_start3A_106 = tpu.memref_slice %arg9[%run_scoped3A, %dma_start3A_104, %dma_start3A_105] : memref<2x96x128xf32, #tpu.memory_space<vmem>> -> memref<1x96x128xf32, #tpu.memory_space<vmem>>
      %dma_start3A_107 = tpu.memref_squeeze %dma_start3A_106 : memref<1x96x128xf32, #tpu.memory_space<vmem>> -> memref<96x128xf32, #tpu.memory_space<vmem>>
      tpu.enqueue_dma source(%dma_start3A_107 : memref<96x128xf32, #tpu.memory_space<vmem>>) target(%dma_start3A_103 : memref<96x128xf32, #tpu.memory_space<vmem_shared>>) target_semaphore(%run_scoped3A_95 : memref<!tpu.dma_semaphore, #tpu.memory_space<semaphore_mem>>)
      %dma_wait3A_108 = arith.constant 0 : i32
      %dma_wait3A_109 = arith.constant 0 : i32
      %dma_wait3A_110 = tpu.memref_slice %arg9[%run_scoped3A, %dma_wait3A_108, %dma_wait3A_109] : memref<2x96x128xf32, #tpu.memory_space<vmem>> -> memref<1x96x128xf32, #tpu.memory_space<vmem>>
      %dma_wait3A_111 = tpu.memref_squeeze %dma_wait3A_110 : memref<1x96x128xf32, #tpu.memory_space<vmem>> -> memref<96x128xf32, #tpu.memory_space<vmem>>
      %dma_wait3A_112 = arith.constant 0 : i32
      %dma_wait3A_113 = tpu.memref_slice %arg6[%add3A_20, %dma_wait3A_112] : memref<10240x128xf32, #tpu.memory_space<vmem_shared>> -> memref<96x128xf32, #tpu.memory_space<vmem_shared>>
      %dma_wait3A_114 = arith.constant 0 : i32
      %dma_wait3A_115 = tpu.memref_slice %arg6[%add3A_20, %dma_wait3A_114] : memref<10240x128xf32, #tpu.memory_space<vmem_shared>> -> memref<96x128xf32, #tpu.memory_space<vmem_shared>>
      %dma_wait3A_116 = arith.constant 0 : i32
      %dma_wait3A_117 = arith.constant 0 : i32
      %dma_wait3A_118 = tpu.memref_slice %arg9[%run_scoped3A, %dma_wait3A_116, %dma_wait3A_117] : memref<2x96x128xf32, #tpu.memory_space<vmem>> -> memref<1x96x128xf32, #tpu.memory_space<vmem>>
      %dma_wait3A_119 = tpu.memref_squeeze %dma_wait3A_118 : memref<1x96x128xf32, #tpu.memory_space<vmem>> -> memref<96x128xf32, #tpu.memory_space<vmem>>
      tpu.wait_dma2 semaphore(%run_scoped3A_95 : memref<!tpu.dma_semaphore, #tpu.memory_space<semaphore_mem>>) src(%dma_wait3A_119 : memref<96x128xf32, #tpu.memory_space<vmem>>) dst(%dma_wait3A_115 : memref<96x128xf32, #tpu.memory_space<vmem_shared>>)
      tpu.yield
    }) : () -> ()
    %mul3A_21 = arith.constant 640 : i32
    %mul3A_22 = arith.muli %arg1, %mul3A_21 : i32
    %add3A_23 = arith.constant 96 : i32
    %add3A_24 = arith.addi %mul3A_22, %add3A_23 : i32
    %run_scoped3A_25 = arith.constant 1 : i32
    "tpu.region"() ({
      %run_scoped3A_95 = tpu.sem_alloc : memref<!tpu.dma_semaphore, #tpu.memory_space<semaphore_mem>>
      %dma_start3A_96 = arith.constant 0 : i32
      %dma_start3A_97 = arith.constant 0 : i32
      %dma_start3A_98 = tpu.memref_slice %arg9[%run_scoped3A_25, %dma_start3A_96, %dma_start3A_97] : memref<2x96x128xf32, #tpu.memory_space<vmem>> -> memref<1x96x128xf32, #tpu.memory_space<vmem>>
      %dma_start3A_99 = tpu.memref_squeeze %dma_start3A_98 : memref<1x96x128xf32, #tpu.memory_space<vmem>> -> memref<96x128xf32, #tpu.memory_space<vmem>>
      %dma_start3A_100 = arith.constant 0 : i32
      %dma_start3A_101 = tpu.memref_slice %arg6[%add3A_24, %dma_start3A_100] : memref<10240x128xf32, #tpu.memory_space<vmem_shared>> -> memref<96x128xf32, #tpu.memory_space<vmem_shared>>
      %dma_start3A_102 = arith.constant 0 : i32
      %dma_start3A_103 = tpu.memref_slice %arg6[%add3A_24, %dma_start3A_102] : memref<10240x128xf32, #tpu.memory_space<vmem_shared>> -> memref<96x128xf32, #tpu.memory_space<vmem_shared>>
      %dma_start3A_104 = arith.constant 0 : i32
      %dma_start3A_105 = arith.constant 0 : i32
      %dma_start3A_106 = tpu.memref_slice %arg9[%run_scoped3A_25, %dma_start3A_104, %dma_start3A_105] : memref<2x96x128xf32, #tpu.memory_space<vmem>> -> memref<1x96x128xf32, #tpu.memory_space<vmem>>
      %dma_start3A_107 = tpu.memref_squeeze %dma_start3A_106 : memref<1x96x128xf32, #tpu.memory_space<vmem>> -> memref<96x128xf32, #tpu.memory_space<vmem>>
      tpu.enqueue_dma source(%dma_start3A_107 : memref<96x128xf32, #tpu.memory_space<vmem>>) target(%dma_start3A_103 : memref<96x128xf32, #tpu.memory_space<vmem_shared>>) target_semaphore(%run_scoped3A_95 : memref<!tpu.dma_semaphore, #tpu.memory_space<semaphore_mem>>)
      %dma_wait3A_108 = arith.constant 0 : i32
      %dma_wait3A_109 = arith.constant 0 : i32
      %dma_wait3A_110 = tpu.memref_slice %arg9[%run_scoped3A_25, %dma_wait3A_108, %dma_wait3A_109] : memref<2x96x128xf32, #tpu.memory_space<vmem>> -> memref<1x96x128xf32, #tpu.memory_space<vmem>>
      %dma_wait3A_111 = tpu.memref_squeeze %dma_wait3A_110 : memref<1x96x128xf32, #tpu.memory_space<vmem>> -> memref<96x128xf32, #tpu.memory_space<vmem>>
      %dma_wait3A_112 = arith.constant 0 : i32
      %dma_wait3A_113 = tpu.memref_slice %arg6[%add3A_24, %dma_wait3A_112] : memref<10240x128xf32, #tpu.memory_space<vmem_shared>> -> memref<96x128xf32, #tpu.memory_space<vmem_shared>>
      %dma_wait3A_114 = arith.constant 0 : i32
      %dma_wait3A_115 = tpu.memref_slice %arg6[%add3A_24, %dma_wait3A_114] : memref<10240x128xf32, #tpu.memory_space<vmem_shared>> -> memref<96x128xf32, #tpu.memory_space<vmem_shared>>
      %dma_wait3A_116 = arith.constant 0 : i32
      %dma_wait3A_117 = arith.constant 0 : i32
      %dma_wait3A_118 = tpu.memref_slice %arg9[%run_scoped3A_25, %dma_wait3A_116, %dma_wait3A_117] : memref<2x96x128xf32, #tpu.memory_space<vmem>> -> memref<1x96x128xf32, #tpu.memory_space<vmem>>
      %dma_wait3A_119 = tpu.memref_squeeze %dma_wait3A_118 : memref<1x96x128xf32, #tpu.memory_space<vmem>> -> memref<96x128xf32, #tpu.memory_space<vmem>>
      tpu.wait_dma2 semaphore(%run_scoped3A_95 : memref<!tpu.dma_semaphore, #tpu.memory_space<semaphore_mem>>) src(%dma_wait3A_119 : memref<96x128xf32, #tpu.memory_space<vmem>>) dst(%dma_wait3A_115 : memref<96x128xf32, #tpu.memory_space<vmem_shared>>)
      tpu.yield
    }) : () -> ()
    %mul3A_26 = arith.constant 640 : i32
    %mul3A_27 = arith.muli %arg1, %mul3A_26 : i32
    %add3A_28 = arith.constant 192 : i32
    %add3A_29 = arith.addi %mul3A_27, %add3A_28 : i32
    %run_scoped3A_30 = arith.constant 0 : i32
    "tpu.region"() ({
      %run_scoped3A_95 = tpu.sem_alloc : memref<!tpu.dma_semaphore, #tpu.memory_space<semaphore_mem>>
      %dma_start3A_96 = arith.constant 0 : i32
      %dma_start3A_97 = arith.constant 0 : i32
      %dma_start3A_98 = tpu.memref_slice %arg9[%run_scoped3A_30, %dma_start3A_96, %dma_start3A_97] : memref<2x96x128xf32, #tpu.memory_space<vmem>> -> memref<1x96x128xf32, #tpu.memory_space<vmem>>
      %dma_start3A_99 = tpu.memref_squeeze %dma_start3A_98 : memref<1x96x128xf32, #tpu.memory_space<vmem>> -> memref<96x128xf32, #tpu.memory_space<vmem>>
      %dma_start3A_100 = arith.constant 0 : i32
      %dma_start3A_101 = tpu.memref_slice %arg6[%add3A_29, %dma_start3A_100] : memref<10240x128xf32, #tpu.memory_space<vmem_shared>> -> memref<96x128xf32, #tpu.memory_space<vmem_shared>>
      %dma_start3A_102 = arith.constant 0 : i32
      %dma_start3A_103 = tpu.memref_slice %arg6[%add3A_29, %dma_start3A_102] : memref<10240x128xf32, #tpu.memory_space<vmem_shared>> -> memref<96x128xf32, #tpu.memory_space<vmem_shared>>
      %dma_start3A_104 = arith.constant 0 : i32
      %dma_start3A_105 = arith.constant 0 : i32
      %dma_start3A_106 = tpu.memref_slice %arg9[%run_scoped3A_30, %dma_start3A_104, %dma_start3A_105] : memref<2x96x128xf32, #tpu.memory_space<vmem>> -> memref<1x96x128xf32, #tpu.memory_space<vmem>>
      %dma_start3A_107 = tpu.memref_squeeze %dma_start3A_106 : memref<1x96x128xf32, #tpu.memory_space<vmem>> -> memref<96x128xf32, #tpu.memory_space<vmem>>
      tpu.enqueue_dma source(%dma_start3A_107 : memref<96x128xf32, #tpu.memory_space<vmem>>) target(%dma_start3A_103 : memref<96x128xf32, #tpu.memory_space<vmem_shared>>) target_semaphore(%run_scoped3A_95 : memref<!tpu.dma_semaphore, #tpu.memory_space<semaphore_mem>>)
      %dma_wait3A_108 = arith.constant 0 : i32
      %dma_wait3A_109 = arith.constant 0 : i32
      %dma_wait3A_110 = tpu.memref_slice %arg9[%run_scoped3A_30, %dma_wait3A_108, %dma_wait3A_109] : memref<2x96x128xf32, #tpu.memory_space<vmem>> -> memref<1x96x128xf32, #tpu.memory_space<vmem>>
      %dma_wait3A_111 = tpu.memref_squeeze %dma_wait3A_110 : memref<1x96x128xf32, #tpu.memory_space<vmem>> -> memref<96x128xf32, #tpu.memory_space<vmem>>
      %dma_wait3A_112 = arith.constant 0 : i32
      %dma_wait3A_113 = tpu.memref_slice %arg6[%add3A_29, %dma_wait3A_112] : memref<10240x128xf32, #tpu.memory_space<vmem_shared>> -> memref<96x128xf32, #tpu.memory_space<vmem_shared>>
      %dma_wait3A_114 = arith.constant 0 : i32
      %dma_wait3A_115 = tpu.memref_slice %arg6[%add3A_29, %dma_wait3A_114] : memref<10240x128xf32, #tpu.memory_space<vmem_shared>> -> memref<96x128xf32, #tpu.memory_space<vmem_shared>>
      %dma_wait3A_116 = arith.constant 0 : i32
      %dma_wait3A_117 = arith.constant 0 : i32
      %dma_wait3A_118 = tpu.memref_slice %arg9[%run_scoped3A_30, %dma_wait3A_116, %dma_wait3A_117] : memref<2x96x128xf32, #tpu.memory_space<vmem>> -> memref<1x96x128xf32, #tpu.memory_space<vmem>>
      %dma_wait3A_119 = tpu.memref_squeeze %dma_wait3A_118 : memref<1x96x128xf32, #tpu.memory_space<vmem>> -> memref<96x128xf32, #tpu.memory_space<vmem>>
      tpu.wait_dma2 semaphore(%run_scoped3A_95 : memref<!tpu.dma_semaphore, #tpu.memory_space<semaphore_mem>>) src(%dma_wait3A_119 : memref<96x128xf32, #tpu.memory_space<vmem>>) dst(%dma_wait3A_115 : memref<96x128xf32, #tpu.memory_space<vmem_shared>>)
      tpu.yield
    }) : () -> ()
    %mul3A_31 = arith.constant 640 : i32
    %mul3A_32 = arith.muli %arg1, %mul3A_31 : i32
    %add3A_33 = arith.constant 288 : i32
    %add3A_34 = arith.addi %mul3A_32, %add3A_33 : i32
    %run_scoped3A_35 = arith.constant 1 : i32
    "tpu.region"() ({
      %run_scoped3A_95 = tpu.sem_alloc : memref<!tpu.dma_semaphore, #tpu.memory_space<semaphore_mem>>
      %dma_start3A_96 = arith.constant 0 : i32
      %dma_start3A_97 = arith.constant 0 : i32
      %dma_start3A_98 = tpu.memref_slice %arg9[%run_scoped3A_35, %dma_start3A_96, %dma_start3A_97] : memref<2x96x128xf32, #tpu.memory_space<vmem>> -> memref<1x96x128xf32, #tpu.memory_space<vmem>>
      %dma_start3A_99 = tpu.memref_squeeze %dma_start3A_98 : memref<1x96x128xf32, #tpu.memory_space<vmem>> -> memref<96x128xf32, #tpu.memory_space<vmem>>
      %dma_start3A_100 = arith.constant 0 : i32
      %dma_start3A_101 = tpu.memref_slice %arg6[%add3A_34, %dma_start3A_100] : memref<10240x128xf32, #tpu.memory_space<vmem_shared>> -> memref<96x128xf32, #tpu.memory_space<vmem_shared>>
      %dma_start3A_102 = arith.constant 0 : i32
      %dma_start3A_103 = tpu.memref_slice %arg6[%add3A_34, %dma_start3A_102] : memref<10240x128xf32, #tpu.memory_space<vmem_shared>> -> memref<96x128xf32, #tpu.memory_space<vmem_shared>>
      %dma_start3A_104 = arith.constant 0 : i32
      %dma_start3A_105 = arith.constant 0 : i32
      %dma_start3A_106 = tpu.memref_slice %arg9[%run_scoped3A_35, %dma_start3A_104, %dma_start3A_105] : memref<2x96x128xf32, #tpu.memory_space<vmem>> -> memref<1x96x128xf32, #tpu.memory_space<vmem>>
      %dma_start3A_107 = tpu.memref_squeeze %dma_start3A_106 : memref<1x96x128xf32, #tpu.memory_space<vmem>> -> memref<96x128xf32, #tpu.memory_space<vmem>>
      tpu.enqueue_dma source(%dma_start3A_107 : memref<96x128xf32, #tpu.memory_space<vmem>>) target(%dma_start3A_103 : memref<96x128xf32, #tpu.memory_space<vmem_shared>>) target_semaphore(%run_scoped3A_95 : memref<!tpu.dma_semaphore, #tpu.memory_space<semaphore_mem>>)
      %dma_wait3A_108 = arith.constant 0 : i32
      %dma_wait3A_109 = arith.constant 0 : i32
      %dma_wait3A_110 = tpu.memref_slice %arg9[%run_scoped3A_35, %dma_wait3A_108, %dma_wait3A_109] : memref<2x96x128xf32, #tpu.memory_space<vmem>> -> memref<1x96x128xf32, #tpu.memory_space<vmem>>
      %dma_wait3A_111 = tpu.memref_squeeze %dma_wait3A_110 : memref<1x96x128xf32, #tpu.memory_space<vmem>> -> memref<96x128xf32, #tpu.memory_space<vmem>>
      %dma_wait3A_112 = arith.constant 0 : i32
      %dma_wait3A_113 = tpu.memref_slice %arg6[%add3A_34, %dma_wait3A_112] : memref<10240x128xf32, #tpu.memory_space<vmem_shared>> -> memref<96x128xf32, #tpu.memory_space<vmem_shared>>
      %dma_wait3A_114 = arith.constant 0 : i32
      %dma_wait3A_115 = tpu.memref_slice %arg6[%add3A_34, %dma_wait3A_114] : memref<10240x128xf32, #tpu.memory_space<vmem_shared>> -> memref<96x128xf32, #tpu.memory_space<vmem_shared>>
      %dma_wait3A_116 = arith.constant 0 : i32
      %dma_wait3A_117 = arith.constant 0 : i32
      %dma_wait3A_118 = tpu.memref_slice %arg9[%run_scoped3A_35, %dma_wait3A_116, %dma_wait3A_117] : memref<2x96x128xf32, #tpu.memory_space<vmem>> -> memref<1x96x128xf32, #tpu.memory_space<vmem>>
      %dma_wait3A_119 = tpu.memref_squeeze %dma_wait3A_118 : memref<1x96x128xf32, #tpu.memory_space<vmem>> -> memref<96x128xf32, #tpu.memory_space<vmem>>
      tpu.wait_dma2 semaphore(%run_scoped3A_95 : memref<!tpu.dma_semaphore, #tpu.memory_space<semaphore_mem>>) src(%dma_wait3A_119 : memref<96x128xf32, #tpu.memory_space<vmem>>) dst(%dma_wait3A_115 : memref<96x128xf32, #tpu.memory_space<vmem_shared>>)
      tpu.yield
    }) : () -> ()
    %mul3A_36 = arith.constant 640 : i32
    %mul3A_37 = arith.muli %arg1, %mul3A_36 : i32
    %add3A_38 = arith.constant 384 : i32
    %add3A_39 = arith.addi %mul3A_37, %add3A_38 : i32
    %run_scoped3A_40 = arith.constant 0 : i32
    "tpu.region"() ({
      %run_scoped3A_95 = tpu.sem_alloc : memref<!tpu.dma_semaphore, #tpu.memory_space<semaphore_mem>>
      %dma_start3A_96 = arith.constant 0 : i32
      %dma_start3A_97 = arith.constant 0 : i32
      %dma_start3A_98 = tpu.memref_slice %arg9[%run_scoped3A_40, %dma_start3A_96, %dma_start3A_97] : memref<2x96x128xf32, #tpu.memory_space<vmem>> -> memref<1x96x128xf32, #tpu.memory_space<vmem>>
      %dma_start3A_99 = tpu.memref_squeeze %dma_start3A_98 : memref<1x96x128xf32, #tpu.memory_space<vmem>> -> memref<96x128xf32, #tpu.memory_space<vmem>>
      %dma_start3A_100 = arith.constant 0 : i32
      %dma_start3A_101 = tpu.memref_slice %arg6[%add3A_39, %dma_start3A_100] : memref<10240x128xf32, #tpu.memory_space<vmem_shared>> -> memref<96x128xf32, #tpu.memory_space<vmem_shared>>
      %dma_start3A_102 = arith.constant 0 : i32
      %dma_start3A_103 = tpu.memref_slice %arg6[%add3A_39, %dma_start3A_102] : memref<10240x128xf32, #tpu.memory_space<vmem_shared>> -> memref<96x128xf32, #tpu.memory_space<vmem_shared>>
      %dma_start3A_104 = arith.constant 0 : i32
      %dma_start3A_105 = arith.constant 0 : i32
      %dma_start3A_106 = tpu.memref_slice %arg9[%run_scoped3A_40, %dma_start3A_104, %dma_start3A_105] : memref<2x96x128xf32, #tpu.memory_space<vmem>> -> memref<1x96x128xf32, #tpu.memory_space<vmem>>
      %dma_start3A_107 = tpu.memref_squeeze %dma_start3A_106 : memref<1x96x128xf32, #tpu.memory_space<vmem>> -> memref<96x128xf32, #tpu.memory_space<vmem>>
      tpu.enqueue_dma source(%dma_start3A_107 : memref<96x128xf32, #tpu.memory_space<vmem>>) target(%dma_start3A_103 : memref<96x128xf32, #tpu.memory_space<vmem_shared>>) target_semaphore(%run_scoped3A_95 : memref<!tpu.dma_semaphore, #tpu.memory_space<semaphore_mem>>)
      %dma_wait3A_108 = arith.constant 0 : i32
      %dma_wait3A_109 = arith.constant 0 : i32
      %dma_wait3A_110 = tpu.memref_slice %arg9[%run_scoped3A_40, %dma_wait3A_108, %dma_wait3A_109] : memref<2x96x128xf32, #tpu.memory_space<vmem>> -> memref<1x96x128xf32, #tpu.memory_space<vmem>>
      %dma_wait3A_111 = tpu.memref_squeeze %dma_wait3A_110 : memref<1x96x128xf32, #tpu.memory_space<vmem>> -> memref<96x128xf32, #tpu.memory_space<vmem>>
      %dma_wait3A_112 = arith.constant 0 : i32
      %dma_wait3A_113 = tpu.memref_slice %arg6[%add3A_39, %dma_wait3A_112] : memref<10240x128xf32, #tpu.memory_space<vmem_shared>> -> memref<96x128xf32, #tpu.memory_space<vmem_shared>>
      %dma_wait3A_114 = arith.constant 0 : i32
      %dma_wait3A_115 = tpu.memref_slice %arg6[%add3A_39, %dma_wait3A_114] : memref<10240x128xf32, #tpu.memory_space<vmem_shared>> -> memref<96x128xf32, #tpu.memory_space<vmem_shared>>
      %dma_wait3A_116 = arith.constant 0 : i32
      %dma_wait3A_117 = arith.constant 0 : i32
      %dma_wait3A_118 = tpu.memref_slice %arg9[%run_scoped3A_40, %dma_wait3A_116, %dma_wait3A_117] : memref<2x96x128xf32, #tpu.memory_space<vmem>> -> memref<1x96x128xf32, #tpu.memory_space<vmem>>
      %dma_wait3A_119 = tpu.memref_squeeze %dma_wait3A_118 : memref<1x96x128xf32, #tpu.memory_space<vmem>> -> memref<96x128xf32, #tpu.memory_space<vmem>>
      tpu.wait_dma2 semaphore(%run_scoped3A_95 : memref<!tpu.dma_semaphore, #tpu.memory_space<semaphore_mem>>) src(%dma_wait3A_119 : memref<96x128xf32, #tpu.memory_space<vmem>>) dst(%dma_wait3A_115 : memref<96x128xf32, #tpu.memory_space<vmem_shared>>)
      tpu.yield
    }) : () -> ()
    %mul3A_41 = arith.constant 640 : i32
    %mul3A_42 = arith.muli %arg1, %mul3A_41 : i32
    %add3A_43 = arith.constant 480 : i32
    %add3A_44 = arith.addi %mul3A_42, %add3A_43 : i32
    %run_scoped3A_45 = arith.constant 1 : i32
    "tpu.region"() ({
      %run_scoped3A_95 = tpu.sem_alloc : memref<!tpu.dma_semaphore, #tpu.memory_space<semaphore_mem>>
      %dma_start3A_96 = arith.constant 0 : i32
      %dma_start3A_97 = arith.constant 0 : i32
      %dma_start3A_98 = tpu.memref_slice %arg9[%run_scoped3A_45, %dma_start3A_96, %dma_start3A_97] : memref<2x96x128xf32, #tpu.memory_space<vmem>> -> memref<1x96x128xf32, #tpu.memory_space<vmem>>
      %dma_start3A_99 = tpu.memref_squeeze %dma_start3A_98 : memref<1x96x128xf32, #tpu.memory_space<vmem>> -> memref<96x128xf32, #tpu.memory_space<vmem>>
      %dma_start3A_100 = arith.constant 0 : i32
      %dma_start3A_101 = tpu.memref_slice %arg6[%add3A_44, %dma_start3A_100] : memref<10240x128xf32, #tpu.memory_space<vmem_shared>> -> memref<96x128xf32, #tpu.memory_space<vmem_shared>>
      %dma_start3A_102 = arith.constant 0 : i32
      %dma_start3A_103 = tpu.memref_slice %arg6[%add3A_44, %dma_start3A_102] : memref<10240x128xf32, #tpu.memory_space<vmem_shared>> -> memref<96x128xf32, #tpu.memory_space<vmem_shared>>
      %dma_start3A_104 = arith.constant 0 : i32
      %dma_start3A_105 = arith.constant 0 : i32
      %dma_start3A_106 = tpu.memref_slice %arg9[%run_scoped3A_45, %dma_start3A_104, %dma_start3A_105] : memref<2x96x128xf32, #tpu.memory_space<vmem>> -> memref<1x96x128xf32, #tpu.memory_space<vmem>>
      %dma_start3A_107 = tpu.memref_squeeze %dma_start3A_106 : memref<1x96x128xf32, #tpu.memory_space<vmem>> -> memref<96x128xf32, #tpu.memory_space<vmem>>
      tpu.enqueue_dma source(%dma_start3A_107 : memref<96x128xf32, #tpu.memory_space<vmem>>) target(%dma_start3A_103 : memref<96x128xf32, #tpu.memory_space<vmem_shared>>) target_semaphore(%run_scoped3A_95 : memref<!tpu.dma_semaphore, #tpu.memory_space<semaphore_mem>>)
      %dma_wait3A_108 = arith.constant 0 : i32
      %dma_wait3A_109 = arith.constant 0 : i32
      %dma_wait3A_110 = tpu.memref_slice %arg9[%run_scoped3A_45, %dma_wait3A_108, %dma_wait3A_109] : memref<2x96x128xf32, #tpu.memory_space<vmem>> -> memref<1x96x128xf32, #tpu.memory_space<vmem>>
      %dma_wait3A_111 = tpu.memref_squeeze %dma_wait3A_110 : memref<1x96x128xf32, #tpu.memory_space<vmem>> -> memref<96x128xf32, #tpu.memory_space<vmem>>
      %dma_wait3A_112 = arith.constant 0 : i32
      %dma_wait3A_113 = tpu.memref_slice %arg6[%add3A_44, %dma_wait3A_112] : memref<10240x128xf32, #tpu.memory_space<vmem_shared>> -> memref<96x128xf32, #tpu.memory_space<vmem_shared>>
      %dma_wait3A_114 = arith.constant 0 : i32
      %dma_wait3A_115 = tpu.memref_slice %arg6[%add3A_44, %dma_wait3A_114] : memref<10240x128xf32, #tpu.memory_space<vmem_shared>> -> memref<96x128xf32, #tpu.memory_space<vmem_shared>>
      %dma_wait3A_116 = arith.constant 0 : i32
      %dma_wait3A_117 = arith.constant 0 : i32
      %dma_wait3A_118 = tpu.memref_slice %arg9[%run_scoped3A_45, %dma_wait3A_116, %dma_wait3A_117] : memref<2x96x128xf32, #tpu.memory_space<vmem>> -> memref<1x96x128xf32, #tpu.memory_space<vmem>>
      %dma_wait3A_119 = tpu.memref_squeeze %dma_wait3A_118 : memref<1x96x128xf32, #tpu.memory_space<vmem>> -> memref<96x128xf32, #tpu.memory_space<vmem>>
      tpu.wait_dma2 semaphore(%run_scoped3A_95 : memref<!tpu.dma_semaphore, #tpu.memory_space<semaphore_mem>>) src(%dma_wait3A_119 : memref<96x128xf32, #tpu.memory_space<vmem>>) dst(%dma_wait3A_115 : memref<96x128xf32, #tpu.memory_space<vmem_shared>>)
      tpu.yield
    }) : () -> ()
    %mul3A_46 = arith.constant 640 : i32
    %mul3A_47 = arith.muli %arg1, %mul3A_46 : i32
    %add3A_48 = arith.constant 544 : i32
    %add3A_49 = arith.addi %mul3A_47, %add3A_48 : i32
    %run_scoped3A_50 = arith.constant 0 : i32
    "tpu.region"() ({
      %run_scoped3A_95 = tpu.sem_alloc : memref<!tpu.dma_semaphore, #tpu.memory_space<semaphore_mem>>
      %dma_start3A_96 = arith.constant 0 : i32
      %dma_start3A_97 = arith.constant 0 : i32
      %dma_start3A_98 = tpu.memref_slice %arg9[%run_scoped3A_50, %dma_start3A_96, %dma_start3A_97] : memref<2x96x128xf32, #tpu.memory_space<vmem>> -> memref<1x96x128xf32, #tpu.memory_space<vmem>>
      %dma_start3A_99 = tpu.memref_squeeze %dma_start3A_98 : memref<1x96x128xf32, #tpu.memory_space<vmem>> -> memref<96x128xf32, #tpu.memory_space<vmem>>
      %dma_start3A_100 = arith.constant 0 : i32
      %dma_start3A_101 = tpu.memref_slice %arg6[%add3A_49, %dma_start3A_100] : memref<10240x128xf32, #tpu.memory_space<vmem_shared>> -> memref<96x128xf32, #tpu.memory_space<vmem_shared>>
      %dma_start3A_102 = arith.constant 0 : i32
      %dma_start3A_103 = tpu.memref_slice %arg6[%add3A_49, %dma_start3A_102] : memref<10240x128xf32, #tpu.memory_space<vmem_shared>> -> memref<96x128xf32, #tpu.memory_space<vmem_shared>>
      %dma_start3A_104 = arith.constant 0 : i32
      %dma_start3A_105 = arith.constant 0 : i32
      %dma_start3A_106 = tpu.memref_slice %arg9[%run_scoped3A_50, %dma_start3A_104, %dma_start3A_105] : memref<2x96x128xf32, #tpu.memory_space<vmem>> -> memref<1x96x128xf32, #tpu.memory_space<vmem>>
      %dma_start3A_107 = tpu.memref_squeeze %dma_start3A_106 : memref<1x96x128xf32, #tpu.memory_space<vmem>> -> memref<96x128xf32, #tpu.memory_space<vmem>>
      tpu.enqueue_dma source(%dma_start3A_107 : memref<96x128xf32, #tpu.memory_space<vmem>>) target(%dma_start3A_103 : memref<96x128xf32, #tpu.memory_space<vmem_shared>>) target_semaphore(%run_scoped3A_95 : memref<!tpu.dma_semaphore, #tpu.memory_space<semaphore_mem>>)
      %dma_wait3A_108 = arith.constant 0 : i32
      %dma_wait3A_109 = arith.constant 0 : i32
      %dma_wait3A_110 = tpu.memref_slice %arg9[%run_scoped3A_50, %dma_wait3A_108, %dma_wait3A_109] : memref<2x96x128xf32, #tpu.memory_space<vmem>> -> memref<1x96x128xf32, #tpu.memory_space<vmem>>
      %dma_wait3A_111 = tpu.memref_squeeze %dma_wait3A_110 : memref<1x96x128xf32, #tpu.memory_space<vmem>> -> memref<96x128xf32, #tpu.memory_space<vmem>>
      %dma_wait3A_112 = arith.constant 0 : i32
      %dma_wait3A_113 = tpu.memref_slice %arg6[%add3A_49, %dma_wait3A_112] : memref<10240x128xf32, #tpu.memory_space<vmem_shared>> -> memref<96x128xf32, #tpu.memory_space<vmem_shared>>
      %dma_wait3A_114 = arith.constant 0 : i32
      %dma_wait3A_115 = tpu.memref_slice %arg6[%add3A_49, %dma_wait3A_114] : memref<10240x128xf32, #tpu.memory_space<vmem_shared>> -> memref<96x128xf32, #tpu.memory_space<vmem_shared>>
      %dma_wait3A_116 = arith.constant 0 : i32
      %dma_wait3A_117 = arith.constant 0 : i32
      %dma_wait3A_118 = tpu.memref_slice %arg9[%run_scoped3A_50, %dma_wait3A_116, %dma_wait3A_117] : memref<2x96x128xf32, #tpu.memory_space<vmem>> -> memref<1x96x128xf32, #tpu.memory_space<vmem>>
      %dma_wait3A_119 = tpu.memref_squeeze %dma_wait3A_118 : memref<1x96x128xf32, #tpu.memory_space<vmem>> -> memref<96x128xf32, #tpu.memory_space<vmem>>
      tpu.wait_dma2 semaphore(%run_scoped3A_95 : memref<!tpu.dma_semaphore, #tpu.memory_space<semaphore_mem>>) src(%dma_wait3A_119 : memref<96x128xf32, #tpu.memory_space<vmem>>) dst(%dma_wait3A_115 : memref<96x128xf32, #tpu.memory_space<vmem_shared>>)
      tpu.yield
    }) : () -> ()
    %barrier3A = arith.constant 0 : index
    tpu.barrier barrier_id(%barrier3A)
    %mul3A_51 = arith.constant 10080 : i32
    %mul3A_52 = arith.muli %add3A, %mul3A_51 : i32
    %dma_wait3A = tpu.memref_slice %arg3[%mul3A_52] : memref<322560xi32, #tpu.memory_space<hbm>> -> memref<10080xi32, #tpu.memory_space<hbm>>
    %dma_wait3A_53 = tpu.memref_slice %arg3[%mul3A_52] : memref<322560xi32, #tpu.memory_space<hbm>> -> memref<10080xi32, #tpu.memory_space<hbm>>
    tpu.wait_dma2 semaphore(%arg10 : memref<!tpu.dma_semaphore, #tpu.memory_space<semaphore_mem>>) src(%dma_wait3A_53 : memref<10080xi32, #tpu.memory_space<hbm>>) dst(%arg7 : memref<10080xi32, #tpu.memory_space<vmem>>)
    %dma_wait3A_54 = arith.constant 0 : i32
    %dma_wait3A_55 = arith.constant 0 : i32
    %dma_wait3A_56 = tpu.memref_slice %arg4[%add3A, %dma_wait3A_54, %dma_wait3A_55] : memref<32x105x96xi32, #tpu.memory_space<hbm>> -> memref<1x105x96xi32, #tpu.memory_space<hbm>>
    %dma_wait3A_57 = tpu.memref_squeeze %dma_wait3A_56 : memref<1x105x96xi32, #tpu.memory_space<hbm>> -> memref<105x96xi32, #tpu.memory_space<hbm>>
    %dma_wait3A_58 = arith.constant 0 : i32
    %dma_wait3A_59 = arith.constant 0 : i32
    %dma_wait3A_60 = tpu.memref_slice %arg4[%add3A, %dma_wait3A_58, %dma_wait3A_59] : memref<32x105x96xi32, #tpu.memory_space<hbm>> -> memref<1x105x96xi32, #tpu.memory_space<hbm>>
    %dma_wait3A_61 = tpu.memref_squeeze %dma_wait3A_60 : memref<1x105x96xi32, #tpu.memory_space<hbm>> -> memref<105x96xi32, #tpu.memory_space<hbm>>
    tpu.wait_dma2 semaphore(%arg11 : memref<!tpu.dma_semaphore, #tpu.memory_space<semaphore_mem>>) src(%dma_wait3A_61 : memref<105x96xi32, #tpu.memory_space<hbm>>) dst(%arg8 : memref<105x96xi32, #tpu.memory_space<vmem>>)
    %dma_start3A_62 = arith.constant 0 : i32
    %dma_start3A_63 = arith.constant 0 : i32
    %dma_start3A_64 = arith.constant 0 : i32
    %dma_start3A_65 = tpu.memref_slice %arg9[%dma_start3A_62, %dma_start3A_63, %dma_start3A_64] : memref<2x96x128xf32, #tpu.memory_space<vmem>> -> memref<1x96x128xf32, #tpu.memory_space<vmem>>
    %dma_start3A_66 = tpu.memref_squeeze %dma_start3A_65 : memref<1x96x128xf32, #tpu.memory_space<vmem>> -> memref<96x128xf32, #tpu.memory_space<vmem>>
    %dma_start3A_67 = arith.constant 0 : i32
    %dma_start3A_68 = tpu.memref_slice %arg7[%dma_start3A_67] : memref<10080xi32, #tpu.memory_space<vmem>> -> memref<96xi32, #tpu.memory_space<vmem>>
    %dma_start3A_69 = arith.constant 0 : i32
    %dma_start3A_70 = arith.constant 0 : i32
    %dma_start3A_71 = tpu.memref_slice %arg2[%dma_start3A_69, %dma_start3A_70] : memref<10000x128xf32, #tpu.memory_space<hbm>> -> memref<10000x128xf32, #tpu.memory_space<hbm>>
    tpu.enqueue_indirect_dma source(%dma_start3A_71 : memref<10000x128xf32, #tpu.memory_space<hbm>>) target(%dma_start3A_66 : memref<96x128xf32, #tpu.memory_space<vmem>>) offsets(%dma_start3A_68 : memref<96xi32, #tpu.memory_space<vmem>>) semaphore(%arg10 : memref<!tpu.dma_semaphore, #tpu.memory_space<semaphore_mem>>)
    %scan3A_72 = arith.constant 0 : i32
    %scan3A_73 = arith.constant 0 : i32
    %scan3A_74 = arith.constant 105 : i32
    %scan3A_75 = arith.addi %scan3A_73, %scan3A_74 : i32
    %scan3A_76 = arith.constant 1 : i32
    scf.for %scan3A_95 = %scan3A_73 to %scan3A_75 step %scan3A_76  : i32 {
      %jit3A = arith.constant 2 : i32
      %eq3A = arith.constant 0 : i32
      %eq3A_96 = arith.cmpi eq, %jit3A, %eq3A : i32
      %jit3A_97 = arith.constant 1 : i32
      %select_n3A = arith.select %eq3A_96, %jit3A_97, %jit3A : i32
      %rem3A = arith.remsi %scan3A_95, %select_n3A : i32
      %ne3A = arith.constant 0 : i32
      %ne3A_98 = arith.cmpi ne, %rem3A, %ne3A : i32
      %lt3A = arith.constant 0 : i32
      %lt3A_99 = arith.cmpi slt, %rem3A, %lt3A : i32
      %lt3A_100 = arith.constant 0 : i32
      %lt3A_101 = arith.cmpi slt, %select_n3A, %lt3A_100 : i32
      %ne3A_102 = arith.xori %lt3A_99, %lt3A_101 : i1
      %and3A = arith.andi %ne3A_102, %ne3A_98 : i1
      %add3A_103 = arith.addi %rem3A, %select_n3A : i32
      %select_n3A_104 = arith.select %and3A, %add3A_103, %rem3A : i32
      %ge3A = arith.constant 1 : i32
      %ge3A_105 = arith.cmpi sge, %scan3A_95, %ge3A : i32
      %convert_element_type3A = arith.extui %ge3A_105 : i1 to i32
      %cond3A = arith.constant 0 : i32
      %cond3A_106 = arith.cmpi ne, %convert_element_type3A, %cond3A : i32
      scf.if %cond3A_106 {
        %sub3A = arith.constant 1 : i32
        %sub3A_134 = arith.subi %scan3A_95, %sub3A : i32
        %sub3A_135 = arith.constant 1 : i32
        %sub3A_136 = arith.subi %sub3A_135, %select_n3A_104 : i32
        %dma_wait3A_137 = arith.constant 0 : i32
        %dma_wait3A_138 = arith.constant 0 : i32
        %dma_wait3A_139 = tpu.memref_slice %arg9[%sub3A_136, %dma_wait3A_137, %dma_wait3A_138] : memref<2x96x128xf32, #tpu.memory_space<vmem>> -> memref<1x96x128xf32, #tpu.memory_space<vmem>>
        %dma_wait3A_140 = tpu.memref_squeeze %dma_wait3A_139 : memref<1x96x128xf32, #tpu.memory_space<vmem>> -> memref<96x128xf32, #tpu.memory_space<vmem>>
        %dma_wait3A_141 = arith.constant 0 : i32
        %dma_wait3A_142 = tpu.memref_slice %arg8[%sub3A_134, %dma_wait3A_141] : memref<105x96xi32, #tpu.memory_space<vmem>> -> memref<1x96xi32, #tpu.memory_space<vmem>>
        %dma_wait3A_143 = tpu.memref_squeeze %dma_wait3A_142 : memref<1x96xi32, #tpu.memory_space<vmem>> -> memref<96xi32, #tpu.memory_space<vmem>>
        %dma_wait3A_144 = arith.constant 0 : i32
        %dma_wait3A_145 = arith.constant 0 : i32
        %dma_wait3A_146 = tpu.memref_slice %arg6[%dma_wait3A_144, %dma_wait3A_145] : memref<10240x128xf32, #tpu.memory_space<vmem_shared>> -> memref<10240x128xf32, #tpu.memory_space<vmem_shared>>
        tpu.wait_indirect_dma semaphore(%arg11 : memref<!tpu.dma_semaphore, #tpu.memory_space<semaphore_mem>>) src(%dma_wait3A_140 : memref<96x128xf32, #tpu.memory_space<vmem>>) dst(%dma_wait3A_146 : memref<10240x128xf32, #tpu.memory_space<vmem_shared>>)
      } else {
      }
      %add3A_107 = arith.constant 1 : i32
      %add3A_108 = arith.addi %scan3A_95, %add3A_107 : i32
      %lt3A_109 = arith.constant 105 : i32
      %lt3A_110 = arith.cmpi slt, %add3A_108, %lt3A_109 : i32
      %convert_element_type3A_111 = arith.extui %lt3A_110 : i1 to i32
      %cond3A_112 = arith.constant 0 : i32
      %cond3A_113 = arith.cmpi ne, %convert_element_type3A_111, %cond3A_112 : i32
      scf.if %cond3A_113 {
        %add3A_134 = arith.constant 1 : i32
        %add3A_135 = arith.addi %scan3A_95, %add3A_134 : i32
        %sub3A = arith.constant 1 : i32
        %sub3A_136 = arith.subi %sub3A, %select_n3A_104 : i32
        %mul3A_137 = arith.constant 96 : i32
        %mul3A_138 = arith.muli %add3A_135, %mul3A_137 : i32
        %dma_start3A_139 = arith.constant 0 : i32
        %dma_start3A_140 = arith.constant 0 : i32
        %dma_start3A_141 = tpu.memref_slice %arg9[%sub3A_136, %dma_start3A_139, %dma_start3A_140] : memref<2x96x128xf32, #tpu.memory_space<vmem>> -> memref<1x96x128xf32, #tpu.memory_space<vmem>>
        %dma_start3A_142 = tpu.memref_squeeze %dma_start3A_141 : memref<1x96x128xf32, #tpu.memory_space<vmem>> -> memref<96x128xf32, #tpu.memory_space<vmem>>
        %dma_start3A_143 = tpu.memref_slice %arg7[%mul3A_138] : memref<10080xi32, #tpu.memory_space<vmem>> -> memref<96xi32, #tpu.memory_space<vmem>>
        %dma_start3A_144 = arith.constant 0 : i32
        %dma_start3A_145 = arith.constant 0 : i32
        %dma_start3A_146 = tpu.memref_slice %arg2[%dma_start3A_144, %dma_start3A_145] : memref<10000x128xf32, #tpu.memory_space<hbm>> -> memref<10000x128xf32, #tpu.memory_space<hbm>>
        tpu.enqueue_indirect_dma source(%dma_start3A_146 : memref<10000x128xf32, #tpu.memory_space<hbm>>) target(%dma_start3A_142 : memref<96x128xf32, #tpu.memory_space<vmem>>) offsets(%dma_start3A_143 : memref<96xi32, #tpu.memory_space<vmem>>) semaphore(%arg10 : memref<!tpu.dma_semaphore, #tpu.memory_space<semaphore_mem>>)
      } else {
      }
      %mul3A_114 = arith.constant 96 : i32
      %mul3A_115 = arith.muli %scan3A_95, %mul3A_114 : i32
      %dma_wait3A_116 = arith.constant 0 : i32
      %dma_wait3A_117 = arith.constant 0 : i32
      %dma_wait3A_118 = tpu.memref_slice %arg9[%select_n3A_104, %dma_wait3A_116, %dma_wait3A_117] : memref<2x96x128xf32, #tpu.memory_space<vmem>> -> memref<1x96x128xf32, #tpu.memory_space<vmem>>
      %dma_wait3A_119 = tpu.memref_squeeze %dma_wait3A_118 : memref<1x96x128xf32, #tpu.memory_space<vmem>> -> memref<96x128xf32, #tpu.memory_space<vmem>>
      %dma_wait3A_120 = tpu.memref_slice %arg7[%mul3A_115] : memref<10080xi32, #tpu.memory_space<vmem>> -> memref<96xi32, #tpu.memory_space<vmem>>
      %dma_wait3A_121 = arith.constant 0 : i32
      %dma_wait3A_122 = arith.constant 0 : i32
      %dma_wait3A_123 = tpu.memref_slice %arg2[%dma_wait3A_121, %dma_wait3A_122] : memref<10000x128xf32, #tpu.memory_space<hbm>> -> memref<10000x128xf32, #tpu.memory_space<hbm>>
      tpu.wait_indirect_dma semaphore(%arg10 : memref<!tpu.dma_semaphore, #tpu.memory_space<semaphore_mem>>) src(%dma_wait3A_123 : memref<10000x128xf32, #tpu.memory_space<hbm>>) dst(%dma_wait3A_119 : memref<96x128xf32, #tpu.memory_space<vmem>>)
      %dma_start3A_124 = arith.constant 0 : i32
      %dma_start3A_125 = arith.constant 0 : i32
      %dma_start3A_126 = tpu.memref_slice %arg9[%select_n3A_104, %dma_start3A_124, %dma_start3A_125] : memref<2x96x128xf32, #tpu.memory_space<vmem>> -> memref<1x96x128xf32, #tpu.memory_space<vmem>>
      %dma_start3A_127 = tpu.memref_squeeze %dma_start3A_126 : memref<1x96x128xf32, #tpu.memory_space<vmem>> -> memref<96x128xf32, #tpu.memory_space<vmem>>
      %dma_start3A_128 = arith.constant 0 : i32
      %dma_start3A_129 = tpu.memref_slice %arg8[%scan3A_95, %dma_start3A_128] : memref<105x96xi32, #tpu.memory_space<vmem>> -> memref<1x96xi32, #tpu.memory_space<vmem>>
      %dma_start3A_130 = tpu.memref_squeeze %dma_start3A_129 : memref<1x96xi32, #tpu.memory_space<vmem>> -> memref<96xi32, #tpu.memory_space<vmem>>
      %dma_start3A_131 = arith.constant 0 : i32
      %dma_start3A_132 = arith.constant 0 : i32
      %dma_start3A_133 = tpu.memref_slice %arg6[%dma_start3A_131, %dma_start3A_132] : memref<10240x128xf32, #tpu.memory_space<vmem_shared>> -> memref<10240x128xf32, #tpu.memory_space<vmem_shared>>
      tpu.enqueue_indirect_dma source(%dma_start3A_127 : memref<96x128xf32, #tpu.memory_space<vmem>>) target(%dma_start3A_133 : memref<10240x128xf32, #tpu.memory_space<vmem_shared>>) offsets(%dma_start3A_130 : memref<96xi32, #tpu.memory_space<vmem>>) semaphore(%arg11 : memref<!tpu.dma_semaphore, #tpu.memory_space<semaphore_mem>>) {add = true}
    }
    %scan3A_77 = arith.constant 105 : i32
    %dma_wait3A_78 = arith.constant 0 : i32
    %dma_wait3A_79 = arith.constant 104 : i32
    %dma_wait3A_80 = arith.constant 0 : i32
    %dma_wait3A_81 = arith.constant 0 : i32
    %dma_wait3A_82 = tpu.memref_slice %arg9[%dma_wait3A_78, %dma_wait3A_80, %dma_wait3A_81] : memref<2x96x128xf32, #tpu.memory_space<vmem>> -> memref<1x96x128xf32, #tpu.memory_space<vmem>>
    %dma_wait3A_83 = tpu.memref_squeeze %dma_wait3A_82 : memref<1x96x128xf32, #tpu.memory_space<vmem>> -> memref<96x128xf32, #tpu.memory_space<vmem>>
    %dma_wait3A_84 = arith.constant 0 : i32
    %dma_wait3A_85 = tpu.memref_slice %arg8[%dma_wait3A_79, %dma_wait3A_84] : memref<105x96xi32, #tpu.memory_space<vmem>> -> memref<1x96xi32, #tpu.memory_space<vmem>>
    %dma_wait3A_86 = tpu.memref_squeeze %dma_wait3A_85 : memref<1x96xi32, #tpu.memory_space<vmem>> -> memref<96xi32, #tpu.memory_space<vmem>>
    %dma_wait3A_87 = arith.constant 0 : i32
    %dma_wait3A_88 = arith.constant 0 : i32
    %dma_wait3A_89 = tpu.memref_slice %arg6[%dma_wait3A_87, %dma_wait3A_88] : memref<10240x128xf32, #tpu.memory_space<vmem_shared>> -> memref<10240x128xf32, #tpu.memory_space<vmem_shared>>
    tpu.wait_indirect_dma semaphore(%arg11 : memref<!tpu.dma_semaphore, #tpu.memory_space<semaphore_mem>>) src(%dma_wait3A_83 : memref<96x128xf32, #tpu.memory_space<vmem>>) dst(%dma_wait3A_89 : memref<10240x128xf32, #tpu.memory_space<vmem_shared>>)
    %barrier3A_90 = arith.constant 0 : index
    tpu.barrier barrier_id(%barrier3A_90)
    %mul3A_91 = arith.constant 640 : i32
    %mul3A_92 = arith.muli %arg1, %mul3A_91 : i32
    %mul3A_93 = arith.constant 640 : i32
    %mul3A_94 = arith.muli %arg1, %mul3A_93 : i32
    "tpu.region"() ({
      %run_scoped3A_95 = tpu.sem_alloc : memref<!tpu.dma_semaphore, #tpu.memory_space<semaphore_mem>>
      %dma_start3A_96 = arith.constant 0 : i32
      %dma_start3A_97 = tpu.memref_slice %arg5[%arg0, %mul3A_94, %dma_start3A_96] : memref<2x10240x128xf32, #tpu.memory_space<hbm>> -> memref<1x640x128xf32, #tpu.memory_space<hbm>>
      %dma_start3A_98 = tpu.memref_squeeze %dma_start3A_97 : memref<1x640x128xf32, #tpu.memory_space<hbm>> -> memref<640x128xf32, #tpu.memory_space<hbm>>
      %dma_start3A_99 = arith.constant 0 : i32
      %dma_start3A_100 = tpu.memref_slice %arg6[%mul3A_92, %dma_start3A_99] : memref<10240x128xf32, #tpu.memory_space<vmem_shared>> -> memref<640x128xf32, #tpu.memory_space<vmem_shared>>
      tpu.enqueue_dma source(%dma_start3A_100 : memref<640x128xf32, #tpu.memory_space<vmem_shared>>) target(%dma_start3A_98 : memref<640x128xf32, #tpu.memory_space<hbm>>) target_semaphore(%run_scoped3A_95 : memref<!tpu.dma_semaphore, #tpu.memory_space<semaphore_mem>>)
      %dma_wait3A_101 = arith.constant 0 : i32
      %dma_wait3A_102 = tpu.memref_slice %arg5[%arg0, %mul3A_94, %dma_wait3A_101] : memref<2x10240x128xf32, #tpu.memory_space<hbm>> -> memref<1x640x128xf32, #tpu.memory_space<hbm>>
      %dma_wait3A_103 = tpu.memref_squeeze %dma_wait3A_102 : memref<1x640x128xf32, #tpu.memory_space<hbm>> -> memref<640x128xf32, #tpu.memory_space<hbm>>
      %dma_wait3A_104 = arith.constant 0 : i32
      %dma_wait3A_105 = tpu.memref_slice %arg6[%mul3A_92, %dma_wait3A_104] : memref<10240x128xf32, #tpu.memory_space<vmem_shared>> -> memref<640x128xf32, #tpu.memory_space<vmem_shared>>
      tpu.wait_dma2 semaphore(%run_scoped3A_95 : memref<!tpu.dma_semaphore, #tpu.memory_space<semaphore_mem>>) src(%dma_wait3A_105 : memref<640x128xf32, #tpu.memory_space<vmem_shared>>) dst(%dma_wait3A_103 : memref<640x128xf32, #tpu.memory_space<hbm>>)
      tpu.yield
    }) : () -> ()
    return
  }
}

module attributes {stable_mosaic.version = 14 : i64} {
  func.func @_tc_finalize(%arg0: i32, %arg1: memref<2x2000x128xf32, #tpu.memory_space<vmem>>, %arg2: memref<128x128xf32, #tpu.memory_space<vmem>>, %arg3: memref<1x128xf32, #tpu.memory_space<vmem>>, %arg4: memref<2000x128xf32, #tpu.memory_space<vmem>>) attributes {dimension_semantics = [#tpu.dimension_semantics<arbitrary>], iteration_bounds = array<i64: 5>, scalar_prefetch = 0 : i64, scratch_operands = 0 : i64, tpu.core_type = #tpu.core_type<tc>, window_params = [{transform_indices = @transform_0, window_bounds = array<i64: 2, 2000, 128>}, {pipeline_mode = #tpu.pipeline_mode<synchronous>, transform_indices = @transform_1, window_bounds = array<i64: 128, 128>}, {pipeline_mode = #tpu.pipeline_mode<synchronous>, transform_indices = @transform_2, window_bounds = array<i64: 1, 128>}, {transform_indices = @transform_3, window_bounds = array<i64: 2000, 128>}]} {
    %get3A = arith.constant 0 : index
    %get3A_0 = arith.constant 0 : index
    %get3A_1 = arith.constant 0 : index
    %get3A_2 = vector.load %arg1[%get3A, %get3A_0, %get3A_1] : memref<2x2000x128xf32, #tpu.memory_space<vmem>>, vector<1x2000x128xf32>
    %get3A_3 = vector.shape_cast %get3A_2 : vector<1x2000x128xf32> to vector<2000x128xf32>
    %get3A_4 = arith.constant 1 : index
    %get3A_5 = arith.constant 0 : index
    %get3A_6 = arith.constant 0 : index
    %get3A_7 = vector.load %arg1[%get3A_4, %get3A_5, %get3A_6] : memref<2x2000x128xf32, #tpu.memory_space<vmem>>, vector<1x2000x128xf32>
    %get3A_8 = vector.shape_cast %get3A_7 : vector<1x2000x128xf32> to vector<2000x128xf32>
    %add3A = arith.addf %get3A_3, %get3A_8 : vector<2000x128xf32>
    %get3A_9 = arith.constant 0 : index
    %get3A_10 = arith.constant 0 : index
    %get3A_11 = vector.load %arg2[%get3A_9, %get3A_10] : memref<128x128xf32, #tpu.memory_space<vmem>>, vector<128x128xf32>
    %dot_general3A = arith.constant dense<0.000000e+00> : vector<2000x128xf32>
    %dot_general3A_12 = tpu.matmul %add3A, %get3A_11, %dot_general3A {dimension_numbers = #tpu.dot_dimension_numbers<[1], [0], [0], [1], [0, 0, 1, 1], [], []>, transpose_lhs_hint = false} : vector<2000x128xf32>, vector<128x128xf32>, vector<2000x128xf32> -> vector<2000x128xf32>
    %get3A_13 = arith.constant 0 : index
    %get3A_14 = arith.constant 0 : index
    %get3A_15 = vector.load %arg3[%get3A_13, %get3A_14] : memref<1x128xf32, #tpu.memory_space<vmem>>, vector<1x128xf32>
    %add3A_16 = vector.broadcast %get3A_15 : vector<1x128xf32> to vector<2000x128xf32>
    %add3A_17 = arith.addf %dot_general3A_12, %add3A_16 : vector<2000x128xf32>
    %max3A = arith.constant 0.000000e+00 : f32
    %max3A_18 = vector.broadcast %max3A : f32 to vector<2000x128xf32>
    %max3A_19 = arith.maximumf %add3A_17, %max3A_18 : vector<2000x128xf32>
    %swap3A = arith.constant 0 : index
    %swap3A_20 = arith.constant 0 : index
    %swap3A_21 = vector.load %arg4[%swap3A, %swap3A_20] : memref<2000x128xf32, #tpu.memory_space<vmem>>, vector<2000x128xf32>
    tpu.vector_store %arg4[%swap3A, %swap3A_20], %max3A_19 {strides = array<i32>} : memref<2000x128xf32, #tpu.memory_space<vmem>>, vector<2000x128xf32>,
    return
  }
  func.func @transform_0(%arg0: i32) -> (i32, i32, i32) {
    %c0_i32 = arith.constant 0 : i32
    %c0_i32_0 = arith.constant 0 : i32
    %c0_i32_1 = arith.constant 0 : i32
    return %c0_i32, %arg0, %c0_i32_0 : i32, i32, i32
  }
  func.func @transform_1(%arg0: i32) -> (i32, i32) {
    %c0_i32 = arith.constant 0 : i32
    %c0_i32_0 = arith.constant 0 : i32
    %c0_i32_1 = arith.constant 0 : i32
    return %c0_i32, %c0_i32_0 : i32, i32
  }
  func.func @transform_2(%arg0: i32) -> (i32, i32) {
    %c0_i32 = arith.constant 0 : i32
    %c0_i32_0 = arith.constant 0 : i32
    %c0_i32_1 = arith.constant 0 : i32
    return %c0_i32, %c0_i32_0 : i32, i32
  }
  func.func @transform_3(%arg0: i32) -> (i32, i32) {
    %c0_i32 = arith.constant 0 : i32
    %c0_i32_0 = arith.constant 0 : i32
    return %arg0, %c0_i32 : i32, i32
  }
}

</mosaic_0001>

<sc_bundles>
// kernel: kernel.5.cloned.1.call-start
scs
__scs_entry_jumppad:
0x0: {  	(pc) =	sbr.rel $0x88, $3  }
0x1: {  	(tag) =	ssettag $0x0;
	lr =	simm.s32 $0x1  }
0x2: {  	[smem:$0x3F9D] =	sst lr;
	_ =	strace $0xD0000000  }
0x3: {  	_ = 	snop  }
0x4: {  	_ = 	snop  }
0x5: {  	_ = 	snop  }
0x6: {  	_ = 	snop  }
0x7: {  	_ = 	snop  }
__scs_overlays_trampoline_lowered:
0x8: {  	[smem:$0x3FAC] =	sst s0  }
0x9: {  	[smem:$0x3FAD] =	sst s1  }
0xa: {  	[smem:$0x3FAE] =	sst s2  }
0xb: {  	[smem:$0x3FAF] =	sst s3  }
0xc: {  	[smem:$0x3FB0] =	sst s4  }
0xd: {  	[smem:$0x3FB1] =	sst s5  }
0xe: {  	[smem:$0x3FB2] =	sst s6  }
0xf: {  	[smem:$0x3FB3] =	sst s7  }
0x10: {  	[smem:$0x3FB4] =	sst s8  }
0x11: {  	[smem:$0x3FB5] =	sst s9;
	s0 =	simm.s32 @!p0 $0x0  }
0x12: {  	s1 =	sld [smem:$0x3F9B];
	s0 =	simm.s32 @p0 $0x1  }
0x13: {  	[smem:$0x3FB6] =	sst s0;
	s0 =	simm.s32 @!p1 $0x0  }
0x14: {  	s2 =	sld [smem:$0x3F9A];
	s0 =	simm.s32 @p1 $0x1  }
0x15: {  	[smem:$0x3FB7] =	sst s0;
	s0 =	simm.s32 @!p2 $0x0  }
0x16: {  	s3 =	sld [smem:$0x3FDB];
	s0 =	simm.s32 @p2 $0x1  }
0x17: {  	s4 =	simm.s32 $0x1BF5;
	[smem:$0x3FB9] =	sst s0  }
0x18: {  	s0 =	sld [smem:$0x3F9C];
	_ =	swait.ge [sflag:s4], $0x0  }
0x19: {  	s7 =	sld [smem:$0x3F9D]  }
0x1a: {  	s8 =	sadd.s32 $0xFFFFE003, lr  }
0x1b: {  	s9 =	sadd.s32 $0xFFFFFEF7, lr;
	s5 =	simm.s32 $0xFFFFFFFF;
	p2 =	slt.u32 s8, $0xFFFFF086  }
0x1c: {  	p1 =	slt.u32 s9, $0xF7A;
	s5 =	simm.s32 @!p2 $0x0  }
0x1d: {  	s5 =	simm.s32 @p1 $0x1;
	p0 =	seq.s32 s7, s2  }
0x1e: {  	s7 =	smul.u32 @!p0 $0xF7A, s2;
	p2 =	seq.s32 @!p0 s5, $0x0  }
0x1f: {  	s9 =	smul.u32 $0xF7A, s1;
	s8 =	simm.s32 @!p0 $0x1BF5;
	p2 =	por !p2, p0  }
0x20: {  	[sflag:s8] =	ssyncset.s32 @!p0 $0xFFFFF086;
	s6 =	sadd.s32 @!p0 s3, s7;
	s7 =	simm.s32 @!p0 $0x108  }
0x21: {  	s3 =	sadd.s32 s3, s9;
	s6 =	sadd.s32 @!p0 $0x88, s6;
	s7 =	simm.s32 @p2 $0x1082  }
0x22: {  	[simem:s7], [sflag:s8] =	dma.local @!p0 [hbm:s6], $0xF7A  }
0x23: {  	s9 =	sor.u32 $0xD0000000, s2;
	s6 =	simm.s32 $0x108;
	_ =	swait.ge @!p0 [sflag:s8], $0x0  }
0x24: {  	s3 =	sadd.s32 $0x88, s3;
	s6 =	simm.s32 @!p1 $0x1082;
	[sflag:s4] =	ssyncset.s32 $0xFFFFF086  }
0x25: {  	[simem:s6], [sflag:s4] =	dma.local [hbm:s3], $0xF7A  }
0x26: {  	[smem:$0x3F9D] =	sst s1;
	(tag) =	ssettag s2;
	_ =	strace s9  }
0x27: {  	s1 =	sld [smem:$0x3FAD]  }
0x28: {  	s2 =	sld [smem:$0x3FAE]  }
0x29: {  	s4 =	sld [smem:$0x3FB0]  }
0x2a: {  	p0 =	seq.s32 s5, $0x0;
	s5 =	sld [smem:$0x3FB1]  }
0x2b: {  	s6 =	sld [smem:$0x3FB2]  }
0x2c: {  	s7 =	sld [smem:$0x3FB3]  }
0x2d: {  	s3 =	simm.s32 $0x108;
	s8 =	sld [smem:$0x3FB4]  }
0x2e: {  	s3 =	simm.s32 @!p0 $0x1082;
	s9 =	sld [smem:$0x3FB5]  }
0x2f: {  	lr =	sadd.s32 s0, s3;
	s0 =	sld [smem:$0x3FAC]  }
0x30: {  	s3 =	sld [smem:$0x3FAF]  }
0x31: {  	[smem:$0x3FB8] =	sst s10  }
0x32: {  	s10 =	sld [smem:$0x3FB6];
	_ =	sdelay $0x3  }
0x33: {  	p0 =	seq.s32 s10, $0x1;
	s10 =	sld [smem:$0x3FB8];
	_ =	sdelay $0x3  }
0x34: {  	[smem:$0x3FB8] =	sst s10  }
0x35: {  	s10 =	sld [smem:$0x3FB7];
	_ =	sdelay $0x3  }
0x36: {  	p1 =	seq.s32 s10, $0x1;
	s10 =	sld [smem:$0x3FB8];
	_ =	sdelay $0x3  }
0x37: {  	[smem:$0x3FB8] =	sst s10  }
0x38: {  	s10 =	sld [smem:$0x3FB9]  }
0x39: {  	_ = 	snop;
	(pc) =	sbr.ind lr, $3  }
0x3a: {  	_ = 	snop  }
0x3b: {  	_ = 	snop  }
0x3c: {  	p2 =	seq.s32 s10, $0x1;
	s10 =	sld [smem:$0x3FB8]  }
0x3d: {  	_ =	shalt  }
0x3e: {  	_ =	shalt  }
0x3f: {  	_ =	shalt  }
0x40: {  	_ =	shalt  }
0x41: {  	_ =	shalt  }
0x42: {  	_ =	shalt  }
0x43: {  	_ =	shalt  }
0x44: {  	_ =	shalt  }
0x45: {  	_ =	shalt  }
0x46: {  	_ =	shalt  }
0x47: {  	_ =	shalt  }
0x48: {  	_ =	shalt  }
0x49: {  	_ =	shalt  }
0x4a: {  	_ =	shalt  }
0x4b: {  	_ =	shalt  }
0x4c: {  	_ =	shalt  }
0x4d: {  	_ =	shalt  }
0x4e: {  	_ =	shalt  }
0x4f: {  	_ =	shalt  }
0x50: {  	_ =	shalt  }
0x51: {  	_ =	shalt  }
0x52: {  	_ =	shalt  }
0x53: {  	_ =	shalt  }
0x54: {  	_ =	shalt  }
0x55: {  	_ =	shalt  }
0x56: {  	_ =	shalt  }
0x57: {  	_ =	shalt  }
0x58: {  	_ =	shalt  }
0x59: {  	_ =	shalt  }
0x5a: {  	_ =	shalt  }
0x5b: {  	_ =	shalt  }
0x5c: {  	_ =	shalt  }
0x5d: {  	_ =	shalt  }
0x5e: {  	_ =	shalt  }
0x5f: {  	_ =	shalt  }
0x60: {  	_ =	shalt  }
0x61: {  	_ =	shalt  }
0x62: {  	_ =	shalt  }
0x63: {  	_ =	shalt  }
0x64: {  	_ =	shalt  }
0x65: {  	_ =	shalt  }
0x66: {  	_ =	shalt  }
0x67: {  	_ =	shalt  }
0x68: {  	_ =	shalt  }
0x69: {  	_ =	shalt  }
0x6a: {  	_ =	shalt  }
0x6b: {  	_ =	shalt  }
0x6c: {  	_ =	shalt  }
0x6d: {  	_ =	shalt  }
0x6e: {  	_ =	shalt  }
0x6f: {  	_ =	shalt  }
0x70: {  	_ =	shalt  }
0x71: {  	_ =	shalt  }
0x72: {  	_ =	shalt  }
0x73: {  	_ =	shalt  }
0x74: {  	_ =	shalt  }
0x75: {  	_ =	shalt  }
0x76: {  	_ =	shalt  }
0x77: {  	_ =	shalt  }
0x78: {  	_ =	shalt  }
0x79: {  	_ =	shalt  }
0x7a: {  	_ =	shalt  }
0x7b: {  	_ =	shalt  }
0x7c: {  	_ =	shalt  }
0x7d: {  	_ =	shalt  }
0x7e: {  	_ =	shalt  }
0x7f: {  	_ =	shalt  }
0x80: {  	_ =	shalt  }
0x81: {  	_ =	shalt  }
0x82: {  	_ =	shalt  }
0x83: {  	_ =	shalt  }
0x84: {  	_ =	shalt  }
0x85: {  	_ =	shalt  }
0x86: {  	_ =	shalt  }
0x87: {  	_ =	shalt  }
.Lfunc_end0:
.L_simem_size_0:
called_computation_lowered:
.L_overlay_start_0:
0x88: {  	s2 =	sld [smem:$0x3FD9]  }
0x89: {  	s3 =	sld [smem:$0x3FFE];
	_ =	sdelay $0x1  }
0x8a: {  	s1 =	srdreg.scid  }
0x8b: {  	s0 =	sand.u32 $0x1, s1  }
0x8c: {  	s17 =	sshll.u32 s0, $0xA;
	s2 =	sadd.s32 s3, s2  }
0x8d: {  	s2 =	sadd.s32 s2, s17  }
0x8e: {  	[smem:$0x3FC4] =	sst s2  }
0x8f: {  	_ = 	snop  }
0x90: {  	s2 =	sld [smem:$0x3FC9]  }
0x91: {  	s18 =	sld [smem:$0x3FD0];
	(tm) =	ssettm $0x1  }
0x92: {  	s4 =	sld [smem:$0x3FFB];
	_ =	sdelay $0x3  }
0x93: {  	_ =	strace s4  }
0x94: {  	s4 =	sld [smem:$0x3FFC];
	_ =	sdelay $0x3  }
0x95: {  	_ =	strace s4  }
0x96: {  	s4 =	sld [smem:$0x3FFD];
	_ =	sdelay $0x3  }
0x97: {  	_ =	strace s4  }
0x98: {  	_ =	strace $0x8FFFFFFF  }
0x99: {  	s19 =	sld [smem:$0x3FDB];
	_ =	sdelay $0x1  }
0x9a: {  	s5 =	simm.s32 $_scs_section_size  }
0x9b: {  	s6 =	simm.s32 $_size__tile_overlayer_lowered;
	s7 =	simm.s32 $_tile_overlayer_lowered  }
0x9c: {  	s22 =	simm.s32 $0x1BFF;
	s21 =	sshll.u32 s7, $0x1;
	s4 =	sadd.s32 s5, s19  }
0x9d: {  	s8 =	simm.s32 $0x0;
	s20 =	sshll.u32 s6, $0x1;
	s6 =	sadd.s32 s21, s4  }
0x9e: {  	[timem:s8], [sflag:s22] =	dma.local [hbm:s6], s20  }
0x9f: {  	_ =	swait.ge [sflag:s22], s20  }
0xa0: {  	s5 =	ssub.s32 $0x0, s20;
	[sflag:s22] =	ssyncset.done $0x0  }
0xa1: {  	[sflag:s22] =	ssyncadd.s32 s5;
	_ =	sdelay $0x1  }
0xa2: {  	s23 =	simm.s32 $0x1B8B  }
0xa3: {  	_ =	swait.ge [sflag:s23], $0x1  }
0xa4: {  	[sflag:s23] =	ssyncset.done $0x0  }
0xa5: {  	s25 =	simm.s32 $0x1B8E;
	s24 =	sld [smem:$0x3FFE];
	[sflag:s23] =	ssyncadd.s32 $0xFFFFFFFF  }
0xa6: {  	s26 =	simm.s32 $execute0_lowered;
	[smem:$0x3FD2] =	sst s25  }
0xa7: {  	s6 =	sshll.u32 s26, $0x1;
	_ =	strace $0x80000046;
	[dreg:$0x1] =	wrdreg $0xFFFFFFFF  }
0xa8: {  	s28 =	simm.s32 $_size_execute0_lowered;
	s4 =	sadd.s32 s4, s6;
	[dreg:$0x0] =	wrdreg $0x0  }
0xa9: {  	s6 =	sshll.u32 s28, $0x1;
	[dreg:$0x2] =	wrdreg s4  }
0xaa: {  	[dreg:$0x3] =	wrdreg s6  }
0xab: {  	[dreg:$0x4] =	wrdreg $0xC0  }
0xac: {  	_ =	task [dreg:s8], $0x5FFFF  }
0xad: {  	[dreg:$0x1] =	wrdreg $0xFFFFFFFF  }
0xae: {  	[dreg:$0x0] =	wrdreg $0x60  }
0xaf: {  	[dreg:$0x2] =	wrdreg s2  }
0xb0: {  	[dreg:$0x3] =	wrdreg s24  }
0xb1: {  	[dreg:$0x4] =	wrdreg s18  }
0xb2: {  	[dreg:$0x5] =	wrdreg $0x0  }
0xb3: {  	[dreg:$0x6] =	wrdreg $0x9  }
0xb4: {  	_ =	task.clear_ibuf [dreg:s8], $0x7FFFF;
	_ =	strace $0x90000046  }
0xb5: {  	s29 =	simm.s32 $0x9;
	_ =	strace $0x80000048  }
0xb6: {  	_ =	swait.ge [sflag:s29], $0x1  }
0xb7: {  	[sflag:s29] =	ssyncadd.s32 $0xFFFFFFFF  }
0xb8: {  	_ =	strace $0x90000048  }
0xb9: {  	_ =	sfence  }
0xba: {  	s30 =	sld [smem:$0x0];
	_ =	sdelay $0x2  }
0xbb: {  	s31 =	sshll.u32 s1, $0xD;
	s1 =	sshrl.u32 s1, $0x2  }
0xbc: {  	s3 =	sand.u32 $0x4000, s31;
	s1 =	sadd.s32 s1, s30  }
0xbd: {  	s0 =	sor.u32 s3, s0;
	s1 =	sshll.u32 s1, $0x11  }
0xbe: {  	s0 =	sor.u32 s1, s0  }
0xbf: {  	s0 =	sadd.s32 $0x8F2B, s0  }
0xc0: {  	[sflag:s0] =	ssyncadd.remote.s32 $0x1  }
0xc1: {  	_ =	sfence.sel $0xFFFF  }
0xc2: {  	[dreg:$0x0] =	wrdreg $0xFFFFFFFF;
	(pc) =	sbr.abs _section_cstart, $3  }
0xc3: {  	[dreg:$0x1] =	wrdreg $0xFFFFFFFF  }
0xc4: {  	_ =	task.clear_ibuf [dreg:s8], $0x2FFFF;
	_ =	strace $0x9FFFFFFF  }
0xc5: {  	(tm) =	ssettm $0x7FFFFFFF  }
tec
execute0_lowered:
.L_overlay_start_1:
0x0: {  	(tag) =	ssettag $0x1  }
0x1: {  	s0 =	rddreg [dreg:$0x0]  }
0x2: {  	s5 =	rddreg [dreg:$0x1]  }
0x3: {  	s1 =	srdreg.scid;
	s7 =	rddreg [dreg:$0x2]  }
0x4: {  	s3 =	rddreg [dreg:$0x3];
	s4 =	simm.s32 $0x0;
	s16 =	simm.s32 $0x14000  }
0x5: {  	s17 =	simm.s32 $0x16780;
	s18 =	simm.s32 $0x19F80;
	s19 =	simm.s32 $0x3  }
0x6: {  	s20 =	simm.s32 $0x1CF80;
	s21 =	simm.s32 $0x1;
	s22 =	simm.s32 $0x2  }
0x7: {  	s23 =	simm.s32 $0x60;
	s6 =	sand.u32 $0x1, s1;
	s1 =	stileid.u32  }
0x8: {  	s26 =	simm.s32 $0x0;
	[smem:$0x7FF] =	sst s4;
	s8 =	smul.u32 $0x140000, s6  }
0x9: {  	s9 =	sshll.u32 s6, $0x4;
	s10 =	smul.u32 $0x14000, s1;
	_ =	strace $0x80000047  }
0xa: {  	s28 =	smul.u32 $0x50000, s1;
	s29 =	ssub.s32 $0x2, s6;
	s9 =	sor.u32 s1, s9  }
0xb: {  	s24 =	sshll.u32 s1, $0x6;
	s6 =	sshrl.u32 s29, $0x1;
	s11 =	smul.u32 $0x4EC, s9  }
0xc: {  	s24 =	sor.u32 $0x1C03, s24;
	s8 =	sadd.s32 s10, s8;
	s30 =	smul.u32 $0x700, s9  }
0xd: {  	s31 =	sshrl.u32 s28, $0x2;
	s15 =	ssub.s32 s29, s6;
	s8 =	sshrl.u32 s8, $0x3  }
.Ltmp0:
0xe: {  	s6 =	sadd.s32 s31, s3;
	s15 =	smax.u32 s15, $0x1;
	(pc) =	sbr.rel .LBB2_1-.Ltmp0, $4  }
0xf: {  	s11 =	sadd.s32 s11, s5;
	s14 =	sadd.s32 s8, s5;
	s7 =	sadd.s32 s7, s30  }
0x10: {  	s8 =	sadd.s32 $0x3000, s6;
	s9 =	sadd.s32 $0x6000, s6;
	s10 =	sadd.s32 $0x9000, s6  }
0x11: {  	s12 =	sadd.s32 $0xF000, s6;
	s13 =	sadd.s32 $0x11000, s6;
	s25 =	sshrl.u32 s6, $0x3  }
0x12: {  	v0 =	vimm.f32 $0.0e+00;
	s5 =	sadd.s32 $0x200, s11;
	s11 =	sadd.s32 $0xC000, s6;
	s14 =	sadd.s32 $0xA000, s14  }
.LBB2_7:
0x13: {  	_ =	swait.ge [sflag:s22], $0x3000  }
0x14: {  	s26 =	sadd.s32 $0x1, s26;
	[sflag:s22] =	ssyncset.done $0x0  }
0x15: {  	p0 =	sne.s32 s26, s15;
	[sflag:s22] =	ssyncadd.s32 $0xFFFFD000  }
.Ltmp1:
0x16: {  	[bflag:$0x0] =	sbarrier.arrive $0xFFFF;
	(pc) =	sbr.rel @!p0 .LBB2_8-.Ltmp1, $4  }
0x17: {  	[hbm:s14], [sflag:s24] =	dma.local [spmem:s25], $0x2800  }
0x18: {  	_ =	swait.ge [sflag:s19], $0x2800  }
0x19: {  	[sflag:s19] =	ssyncset.done $0x0  }
0x1a: {  	[sflag:s19] =	ssyncadd.s32 $0xFFFFD800  }
.LBB2_1:
0x1b: {  	[tilespmem:s16], [sflag:$0x1] =	stream.linear.gather [hbm4b:s5+s4], $0x2760, $0x38;
	[tilespmem:$0x1FF80] =	vst v63  }
0x1c: {  	s28 =	simm.s32 $0x40;
	s29 =	simm.s32 $0x300  }
0x1d: {  	[tilespmem:s17], [sflag:$0x2] =	stream.linear.gather [hbm4b:s7+s4], $0x3480, $0x38;
	[tilespmem:$0x1FF80] =	vst v63  }
.LBB2_2:
0x1e: {  	p0 =	sne.s32 s29, $0xBF00;
	[tilespmem:s28+$0x1CFB0] =	vst v0  }
0x1f: {  	[tilespmem:s28+$0x19F40] =	vst v0  }
0x20: {  	[tilespmem:s28+$0x19F50] =	vst v0  }
0x21: {  	[tilespmem:s28+$0x19F60] =	vst v0  }
0x22: {  	[tilespmem:s28+$0x19F70] =	vst v0  }
0x23: {  	[tilespmem:s28+$0x19F80] =	vst v0  }
0x24: {  	[tilespmem:s28+$0x19F90] =	vst v0  }
0x25: {  	[tilespmem:s28+$0x19FA0] =	vst v0  }
0x26: {  	[tilespmem:s28+$0x19FB0] =	vst v0  }
0x27: {  	[tilespmem:s28+$0x1CF40] =	vst v0  }
0x28: {  	[tilespmem:s28+$0x1CF50] =	vst v0  }
.Ltmp2:
0x29: {  	[tilespmem:s28+$0x1CF60] =	vst v0;
	(pc) =	sbr.rel @p0 .LBB2_2-.Ltmp2, $4  }
0x2a: {  	[tilespmem:s28+$0x1CF70] =	vst v0  }
0x2b: {  	[tilespmem:s28+$0x1CF80] =	vst v0  }
0x2c: {  	[tilespmem:s28+$0x1CF90] =	vst v0  }
0x2d: {  	[tilespmem:s28+$0x1CFA0] =	vst v0;
	s28 =	sshra.s32 s29, $0x2;
	s29 =	sadd.s32 $0x200, s29  }
0x2e: {  	[tilespmem:s28+$0x1CFB0] =	vst v0  }
0x2f: {  	[tilespmem:s28+$0x19F40] =	vst v0  }
0x30: {  	[tilespmem:s28+$0x19F50] =	vst v0  }
0x31: {  	[tilespmem:s28+$0x19F60] =	vst v0  }
0x32: {  	[tilespmem:s28+$0x19F70] =	vst v0  }
0x33: {  	[tilespmem:s28+$0x19F80] =	vst v0  }
0x34: {  	[tilespmem:s28+$0x19F90] =	vst v0  }
0x35: {  	[tilespmem:s28+$0x19FA0] =	vst v0  }
0x36: {  	[tilespmem:s28+$0x19FB0] =	vst v0  }
0x37: {  	[tilespmem:s28+$0x1CF40] =	vst v0  }
0x38: {  	[tilespmem:s28+$0x1CF50] =	vst v0  }
0x39: {  	[tilespmem:s28+$0x1CF60] =	vst v0  }
0x3a: {  	[tilespmem:s28+$0x1CF70] =	vst v0  }
0x3b: {  	[tilespmem:s28+$0x1CF80] =	vst v0  }
0x3c: {  	[tilespmem:s28+$0x1CF90] =	vst v0  }
0x3d: {  	[tilespmem:s28+$0x1CFA0] =	vst v0  }
0x3e: {  	[spmem:s6] =	stream.linear.scatter [tilespmem:s18], [sflag:$0x3], $0x3000, $0x38;
	[tilespmem:$0x1FF80] =	vst v63  }
0x3f: {  	_ =	swait.ge [sflag:s19], $0x3000  }
0x40: {  	[sflag:s19] =	ssyncset.done $0x0  }
0x41: {  	[sflag:s19] =	ssyncadd.s32 $0xFFFFD000  }
0x42: {  	[spmem:s8] =	stream.linear.scatter [tilespmem:s20], [sflag:$0x3], $0x3000, $0x38;
	[tilespmem:$0x1FF80] =	vst v63  }
0x43: {  	_ =	swait.ge [sflag:s19], $0x3000  }
0x44: {  	[sflag:s19] =	ssyncset.done $0x0  }
0x45: {  	[sflag:s19] =	ssyncadd.s32 $0xFFFFD000  }
0x46: {  	[spmem:s9] =	stream.linear.scatter [tilespmem:s18], [sflag:$0x3], $0x3000, $0x38;
	[tilespmem:$0x1FF80] =	vst v63  }
0x47: {  	_ =	swait.ge [sflag:s19], $0x3000  }
0x48: {  	[sflag:s19] =	ssyncset.done $0x0  }
0x49: {  	[sflag:s19] =	ssyncadd.s32 $0xFFFFD000  }
0x4a: {  	[spmem:s10] =	stream.linear.scatter [tilespmem:s20], [sflag:$0x3], $0x3000, $0x38;
	[tilespmem:$0x1FF80] =	vst v63  }
0x4b: {  	_ =	swait.ge [sflag:s19], $0x3000  }
0x4c: {  	[sflag:s19] =	ssyncset.done $0x0  }
0x4d: {  	[sflag:s19] =	ssyncadd.s32 $0xFFFFD000  }
0x4e: {  	[spmem:s11] =	stream.linear.scatter [tilespmem:s18], [sflag:$0x3], $0x3000, $0x38;
	[tilespmem:$0x1FF80] =	vst v63  }
0x4f: {  	_ =	swait.ge [sflag:s19], $0x3000  }
0x50: {  	[sflag:s19] =	ssyncset.done $0x0  }
0x51: {  	[sflag:s19] =	ssyncadd.s32 $0xFFFFD000  }
0x52: {  	[spmem:s12] =	stream.linear.scatter [tilespmem:s20], [sflag:$0x3], $0x3000, $0x38;
	[tilespmem:$0x1FF80] =	vst v63  }
0x53: {  	_ =	swait.ge [sflag:s19], $0x3000  }
0x54: {  	[sflag:s19] =	ssyncset.done $0x0  }
0x55: {  	[sflag:s19] =	ssyncadd.s32 $0xFFFFD000  }
0x56: {  	[spmem:s13] =	stream.linear.scatter [tilespmem:s18], [sflag:$0x3], $0x3000, $0x38;
	[tilespmem:$0x1FF80] =	vst v63  }
0x57: {  	_ =	swait.ge [sflag:s19], $0x3000  }
0x58: {  	[sflag:s19] =	ssyncset.done $0x0  }
0x59: {  	[sflag:s19] =	ssyncadd.s32 $0xFFFFD000  }
0x5a: {  	[bflag:$0x0] =	sbarrier.arrive $0xFFFF  }
0x5b: {  	_ =	swait.ge [sflag:s21], $0x2760  }
0x5c: {  	[sflag:s21] =	ssyncset.done $0x0  }
.Ltmp3:
0x5d: {  	[sflag:s21] =	ssyncadd.s32 $0xFFFFD8A0;
	(pc) =	sbr.rel .LBB2_4-.Ltmp3, $4  }
0x5e: {  	_ =	swait.ge [sflag:s22], $0x3480  }
0x5f: {  	[sflag:s22] =	ssyncset.done $0x0  }
0x60: {  	s28 =	simm.s32 $0x0;
	[sflag:s22] =	ssyncadd.s32 $0xFFFFCB80  }
0x61: {  	[tilespmem:s18], [sflag:$0x1] =	stream.indirect.gather [hbm4b:s0+s23], $0x80, s16, s23, $0xb8;
	[tilespmem:$0x1FF80] =	vst v63  }
.LBB2_6:
0x62: {  	s2 =	smul.u32 $0xC000, s30;
	p0 =	slt.u32 s29, $0x69  }
.Ltmp4:
0x63: {  	_ =	swait.ge [sflag:s21], $0x3000;
	s28 =	sshll.u32 s28, $0x7;
	(pc) =	sbr.rel @!p0 .LBB2_7-.Ltmp4, $4  }
0x64: {  	[sflag:s21] =	ssyncset.done $0x0;
	s28 =	sand.u32 $0x3FFFFF80, s28;
	s2 =	sshrl.u32 s2, $0x2  }
0x65: {  	[sflag:s21] =	ssyncadd.s32 $0xFFFFD000;
	s28 =	sadd.s32 $0x16780, s28;
	s2 =	sadd.s32 $0x19F80, s2  }
0x66: {  	[spmem:s3] =	stream.indirect.scatter.add.f32 [tilespmem:s2], [sflag:$0x2], $0x80, s28, s23, $0xb8;
	[tilespmem:$0x1FF80] =	vst v63  }
0x67: {  	s28 =	smov.u32 s29  }
.LBB2_4:
0x68: {  	p0 =	seq.s32 s28, $0x0  }
0x69: {  	p1 =	seq.s32 @!p0 s28, $0x68  }
0x6a: {  	p1 =	por p0, !p1  }
.Ltmp5:
0x6b: {  	_ = 	snop;
	(pc) =	sbr.rel @!p1 .LBB2_6-.Ltmp5, $4  }
0x6c: {  	s29 =	simm.s32 @!p0 $0x2  }
0x6d: {  	_ =	swait.ge @!p0 [sflag:s29], $0x3000  }
0x6e: {  	[sflag:s29] =	ssyncset.done @!p0 $0x0  }
0x6f: {  	s30 =	sand.u32 $0x1, s28;
	[sflag:s29] =	ssyncadd.s32 @!p0 $0xFFFFD000;
	s29 =	simm.s32 @!p0 $0x69  }
0x70: {  	s29 =	sadd.s32 @!p0 $0x1, s28;
	s31 =	sxor.u32 $0x1, s30  }
0x71: {  	s29 =	simm.s32 @p0 $0x1;
	s31 =	smul.u32 $0xC000, s31  }
0x72: {  	s2 =	smul.u32 $0x180, s29  }
.Ltmp6:
0x73: {  	_ = 	snop;
	(pc) =	sbr.rel .LBB2_6-.Ltmp6, $4  }
0x74: {  	_ = 	snop  }
0x75: {  	s31 =	sshrl.u32 s31, $0x2;
	s2 =	sshra.s32 s2, $0x2  }
0x76: {  	s31 =	sadd.s32 $0x19F80, s31;
	s2 =	sadd.s32 $0x14000, s2  }
0x77: {  	[tilespmem:s31], [sflag:$0x1] =	stream.indirect.gather [hbm4b:s0+s23], $0x80, s2, s23, $0xb8;
	[tilespmem:$0x1FF80] =	vst v63  }
.LBB2_8:
0x78: {  	_ =	sfence.sel $0x180000  }
0x79: {  	[bflag:$0x0] =	sbarrier.arrive $0xFFFF  }
0x7a: {  	_ =	strace $0x90000047  }
0x7b: {  	[bflag:$0x2] =	sbarrier.arrive $0xFFFF  }
0x7c: {  	p0 =	sne.s32 s1, $0x0;
	s0 =	rddreg [dreg:$0x4]  }
0x7d: {  	s0 =	sadd.s32 @!p0 $0x100000, s0  }
0x7e: {  	[sflag:s0] =	ssyncadd.tile.s32 @!p0 $0x1;
	_ =	shalt  }
.Lfunc_end2:
_tile_overlayer_lowered:
.L_overlay_start_2:
0x7f: {  	(tag) =	ssettag $0x2  }
0x80: {  	s0 =	rddreg [dreg:$0x0];
	s2 =	stileid.u32  }
0x81: {  	s1 =	rddreg [dreg:$0x1];
	p0 =	sne.s32 s2, $0x0  }
0x82: {  	s3 =	rddreg [dreg:$0x2];
	[bflag:$0x3] =	sbarrier.arrive $0xFFFF;
	s2 =	simm.s32 @!p0 $0x1C03  }
0x83: {  	[timem:s3], [sflag:s2] =	dma.local @!p0 [hbm:s0], s1  }
0x84: {  	s0 =	simm.s32 @!p0 $0x3  }
0x85: {  	_ =	swait.ge @!p0 [sflag:s0], s1  }
0x86: {  	s1 =	ssub.s32 @!p0 $0x0, s1;
	[sflag:s0] =	ssyncset.done @!p0 $0x0  }
0x87: {  	[sflag:s0] =	ssyncadd.s32 @!p0 s1  }
0x88: {  	[bflag:$0x3] =	sbarrier.arrive $0xFFFF  }
0x89: {  	_ =	shalt  }

</sc_bundles>
